<compile_context>
chip_gen: v7x
topology: tpu7x:2x2x1
jax: 0.10.2.dev20260603
libtpu: 0.0.44.dev20260713+nightly
codegen_flags: <defaults>
</compile_context>

<pallas_src>
import jax
import jax.numpy as jnp
from jax import lax
from jax.experimental import pallas as pl
from jax.experimental.pallas import tpu as pltpu
from jax.experimental.pallas import tpu_sc as plsc

_NAP = 64
_NU = 640
_B2 = 64
_BN = 32
_EX = 100.0
_EY = 100.0
_P = -1.9
_C0 = -4.6 * 2.302585092994046

_NTILE = 16
_BPT = _B2 // _NTILE


def _d2_au(ap_cx, ap_cy, xu_rx, xu_ry):
    dx = jnp.abs(ap_cx - xu_rx)
    dy = jnp.abs(ap_cy - xu_ry)
    dxw = jnp.minimum(dx, _EX - dx)
    dyw = jnp.minimum(dy, _EY - dy)
    return dxw * dxw + dyw * dyw + 1.0


_ANB = 32


def _assign_body(xu_rx, xu_ry, ap_cx, ap_cy, near_out):
    d2 = _d2_au(ap_cx[...], ap_cy[...], xu_rx[...], xu_ry[...])
    mn = jnp.min(d2, axis=1, keepdims=True)
    ap_iota = lax.broadcasted_iota(jnp.int32, (_ANB, _NAP, _NU), 1)
    near_out[...] = jnp.min(jnp.where(d2 == mn, ap_iota, _NAP), axis=1,
                            keepdims=True)


_NEXT_LANE = lax.GatherDimensionNumbers(
    offset_dims=(), collapsed_slice_dims=(0,), start_index_map=(0,))


def _compact_body(near_hbm, bnoff_hbm, sel_hbm, selb_hbm, svrows_hbm,
                  near_v, sel_v, sv_v, sv64_v, order_v, selb_v, bn_v):
    wid = lax.axis_index("s")
    lane = lax.broadcasted_iota(jnp.int32, (16,), 0)
    nxt_idx = jnp.minimum(lane + 1, 15).reshape(16, 1)
    pltpu.sync_copy(near_hbm.at[pl.ds(wid * _BPT, _BPT)], near_v)
    for k in range(_BPT):
        for j in range(_NAP // 16):
            sel_v[k, pl.ds(j * 16, 16)] = jnp.full((16,), -1, jnp.int32)

        def step(c, carry):
            base = c * 16
            a_c = near_v[k, pl.ds(base, 16)]
            comb = a_c * 1024 + base + lane
            s = lax.sort(comb)
            a_s = lax.shift_right_logical(s, 10)
            u_s = lax.bitwise_and(s, 1023)
            a_nxt = lax.gather(a_s, nxt_idx, _NEXT_LANE, (1,),
                               mode=lax.GatherScatterMode.PROMISE_IN_BOUNDS)
            win = jnp.logical_or(a_s != a_nxt, lane == 15)
            plsc.store_scatter(sel_v, [jnp.full((16,), k, jnp.int32), a_s],
                               u_s, mask=win)
            return carry

        lax.fori_loop(0, _NU // 16, step, 0)

        m = jnp.full((16,), 2 * _NU, jnp.int32)
        for j in range(_NAP // 16):
            m = jnp.minimum(m, sel_v[k, pl.ds(j * 16, 16)])
        sv_v[k, ...] = jnp.full((16,), lax.reduce_min(m, (0,)), jnp.int32)
    pltpu.sync_copy(sel_v, sel_hbm.at[pl.ds(wid * _BPT, _BPT)])
    pltpu.sync_copy(sv_v, svrows_hbm.at[pl.ds(wid * _BPT, _BPT)])

    @pl.when(wid == 0)
    def _prefetch_bnoff():
        pltpu.sync_copy(bnoff_hbm, bn_v)

    plsc.subcore_barrier()

    @pl.when(wid == 0)
    def _epilogue():
        pltpu.sync_copy(svrows_hbm, sv64_v)
        zeros = jnp.zeros((16,), jnp.int32)
        oks = []
        n1 = 0
        for c in range(_B2 // 16):
            bits = plsc.load_gather(sv64_v, [c * 16 + lane, zeros])
            ok = jnp.where(bits >= 0, 1, 0).astype(jnp.int32)
            oks.append(ok)
            n1 = n1 + lax.reduce_max(plsc.cumsum(ok), (0,))
        c1 = 0
        c0 = 0
        for c in range(_B2 // 16):
            ok = oks[c]
            cs1 = plsc.cumsum(ok)
            cs0 = plsc.cumsum(1 - ok)
            pos = jnp.where(ok == 1, c1 + cs1 - 1, n1 + c0 + cs0 - 1)
            plsc.store_scatter(order_v, [pos], c * 16 + lane)
            t1 = lax.reduce_max(cs1, (0,))
            c1 = c1 + t1
            c0 = c0 + (16 - t1)
        selb_v[pl.ds(0, 16)] = order_v[pl.ds(0, 16)] + bn_v[...]
        selb_v[pl.ds(16, 16)] = order_v[pl.ds(16, 16)] + bn_v[...]
        pltpu.sync_copy(selb_v, selb_hbm)


_CNB = 16


def _gather_body(beta_ref, xu_rx, xu_ry, ap_cx, ap_cy, sel_ref,
                 g_out, pp_out):
    beta = beta_ref[0, 0]
    d2 = _d2_au(ap_cx[...], ap_cy[...], xu_rx[...], xu_ry[...])
    sel_row = sel_ref[...]
    u_iota = lax.broadcasted_iota(jnp.int32, (_CNB, _NU, _NAP), 1)
    onehot = jnp.where(u_iota == sel_row, 1.0, 0.0).astype(jnp.float32)
    d_sel = lax.dot_general(d2, onehot, (((2,), (1,)), ((0,), (0,))),
                            precision=lax.Precision.HIGHEST,
                            preferred_element_type=jnp.float32)
    g = jnp.exp(_C0 + _P * jnp.log(d_sel))
    i_iota = lax.broadcasted_iota(jnp.int32, (_CNB, _NAP, _NAP), 1)
    j_iota = lax.broadcasted_iota(jnp.int32, (_CNB, _NAP, _NAP), 2)
    diag = jnp.sum(jnp.where(i_iota == j_iota, d_sel, 0.0), axis=1,
                   keepdims=True)
    g_out[...] = g
    pp_out[...] = jnp.exp(-beta * (_C0 + _P * jnp.log(diag)))


def kernel(Xuser, Xap, batch_num, beta_open_loop):
    xu_x = Xuser[:, :, 0].astype(jnp.float32)
    xu_y = Xuser[:, :, 1].astype(jnp.float32)
    ap_x = Xap[:, :, 0].astype(jnp.float32)
    ap_y = Xap[:, :, 1].astype(jnp.float32)
    beta = jnp.asarray(beta_open_loop, jnp.float32).reshape(1, 1)
    bnoff = jnp.full((16,), jnp.asarray(batch_num, jnp.int32) - _BN, jnp.int32)

    coord_args = (
        xu_x.reshape(_B2, 1, _NU), xu_y.reshape(_B2, 1, _NU),
        ap_x.reshape(_B2, _NAP, 1), ap_y.reshape(_B2, _NAP, 1),
    )

    nearest = pl.pallas_call(
        _assign_body,
        grid=(_B2 // _ANB,),
        in_specs=[
            pl.BlockSpec((_ANB, 1, _NU), lambda b: (b, 0, 0)),
            pl.BlockSpec((_ANB, 1, _NU), lambda b: (b, 0, 0)),
            pl.BlockSpec((_ANB, _NAP, 1), lambda b: (b, 0, 0)),
            pl.BlockSpec((_ANB, _NAP, 1), lambda b: (b, 0, 0)),
        ],
        out_specs=pl.BlockSpec((_ANB, 1, _NU), lambda b: (b, 0, 0)),
        out_shape=jax.ShapeDtypeStruct((_B2, 1, _NU), jnp.int32),
    )(*coord_args)

    mesh = plsc.VectorSubcoreMesh(core_axis_name="c", subcore_axis_name="s",
                                  num_cores=1, num_subcores=_NTILE)
    sel_all, selb, _ = pl.kernel(
        _compact_body,
        out_type=[
            jax.ShapeDtypeStruct((_B2, _NAP), jnp.int32),
            jax.ShapeDtypeStruct((_BN,), jnp.int32),
            jax.ShapeDtypeStruct((_B2, 16), jnp.int32),
        ],
        mesh=mesh,
        compiler_params=pltpu.CompilerParams(needs_layout_passes=False),
        scratch_types=[
            pltpu.VMEM((_BPT, _NU), jnp.int32),
            pltpu.VMEM((_BPT, _NAP), jnp.int32),
            pltpu.VMEM((_BPT, 16), jnp.int32),
            pltpu.VMEM((_B2, 16), jnp.int32),
            pltpu.VMEM((_B2,), jnp.int32),
            pltpu.VMEM((_BN,), jnp.int32),
            pltpu.VMEM((16,), jnp.int32),
        ],
    )(nearest.reshape(_B2, _NU), bnoff)

    sel_args = tuple(jnp.take(a, selb, axis=0) for a in coord_args)
    sel_rows = jnp.take(sel_all, selb, axis=0).reshape(_BN, 1, _NAP)
    g_full, pp_full = pl.pallas_call(
        _gather_body,
        grid=(_BN // _CNB,),
        in_specs=[
            pl.BlockSpec(memory_space=pltpu.SMEM),
            pl.BlockSpec((_CNB, 1, _NU), lambda i: (i, 0, 0)),
            pl.BlockSpec((_CNB, 1, _NU), lambda i: (i, 0, 0)),
            pl.BlockSpec((_CNB, _NAP, 1), lambda i: (i, 0, 0)),
            pl.BlockSpec((_CNB, _NAP, 1), lambda i: (i, 0, 0)),
            pl.BlockSpec((_CNB, 1, _NAP), lambda i: (i, 0, 0)),
        ],
        out_specs=[
            pl.BlockSpec((_CNB, _NAP, _NAP), lambda i: (i, 0, 0)),
            pl.BlockSpec((_CNB, 1, _NAP), lambda i: (i, 0, 0)),
        ],
        out_shape=[
            jax.ShapeDtypeStruct((_BN, _NAP, _NAP), jnp.float32),
            jax.ShapeDtypeStruct((_BN, 1, _NAP), jnp.float32),
        ],
    )(beta, *sel_args, sel_rows)

    return (g_full, pp_full[:, 0, :])

# --- scband reference (transcript-rebuilt; emitter-appended) ---
"""Pipeline reference for scband-data-32985348833820 (READ-ONLY COPY).

The authoritative reference and input builder live on the scoring server;
editing this copy changes nothing except your own understanding.
"""

import jax, jax.numpy as jnp
import numpy as np

NUSER = 64
NAP = 64
NUSER_DROP = 640
EX = 100.0
EY = 100.0
EXPONENT = 3.8
BATCH_NUM = 32


def setup_inputs(seed: int = 0):
    key = jax.random.key(seed)
    k1, k2, k3, k4 = jax.random.split(key, 4)
    B2 = BATCH_NUM * 2
    x0 = jax.random.uniform(k1, (B2, NUSER_DROP, 1), minval=0.0, maxval=EX)
    y0 = jax.random.uniform(k2, (B2, NUSER_DROP, 1), minval=0.0, maxval=EY)
    z0 = jnp.zeros((B2, NUSER_DROP, 1), dtype=jnp.float32)  # Zuser = 0
    Xuser = jnp.concatenate([x0, y0, z0], axis=2)
    x = jax.random.uniform(k3, (B2, NAP, 1), minval=0.0, maxval=EX)
    y = jax.random.uniform(k4, (B2, NAP, 1), minval=0.0, maxval=EY)
    z = jnp.ones((B2, NAP, 1), dtype=jnp.float32)  # Zap = 1
    Xap = jnp.concatenate([x, y, z], axis=2)
    return {"Xuser": Xuser, "Xap": Xap, "batch_num": BATCH_NUM, "beta_open_loop": 1.0}


def _dist(X1, X2, ex, ey):
    # toroidal (wrap-around) distance, faithful to tf Dist
    xd = X1[:, :, 0:1] - jnp.transpose(X2[:, :, 0:1], (0, 2, 1))
    xdist2 = jnp.power(jnp.minimum(jnp.abs(xd), ex - jnp.abs(xd)), 2)
    yd = X1[:, :, 1:2] - jnp.transpose(X2[:, :, 1:2], (0, 2, 1))
    ydist2 = jnp.power(jnp.minimum(jnp.abs(yd), ey - jnp.abs(yd)), 2)
    zd = X1[:, :, 2:3] - jnp.transpose(X2[:, :, 2:3], (0, 2, 1))
    zdist2 = jnp.power(zd, 2)
    return jnp.sqrt(xdist2 + ydist2 + zdist2)


def _assign_ap(D, batch_num):
    B = D.shape[0]
    D_assign = jnp.zeros((B, NAP, 1), dtype=jnp.float32)
    d_sort = jnp.argmin(D, axis=1)  # [B, NUSER_DROP] nearest AP per dropped user
    mask = jnp.tile(jnp.arange(1.0, NUSER_DROP + 1.0, dtype=jnp.float32)[None, :], (B, 1))
    survive = jnp.ones((B,), dtype=bool)
    for i in range(NAP):
        ind_ap_i = (d_sort == i)
        counts = jnp.sum(ind_ap_i.astype(jnp.float32), axis=1)
        survive = jnp.logical_and(survive, counts > 0)
        mask_i = mask * ind_ap_i.astype(jnp.float32)
        mask_i = jnp.round(jax.nn.softmax(100.0 * mask_i, axis=1))  # one-hot at max-index user of AP i
        mask_i = jnp.tile(mask_i[:, None, :], (1, NAP, 1))
        dist_selected_user = jnp.sum(mask_i * D, axis=2, keepdims=True)
        D_assign = jnp.concatenate([D_assign, dist_selected_user], axis=2)
    order = jnp.argsort(jnp.logical_not(survive).astype(jnp.int32))
    sel = order[:BATCH_NUM] + (batch_num - BATCH_NUM)
    return jnp.take(D_assign, sel, axis=0)[:, :, 1:]


def reference(Xuser, Xap, batch_num, beta_open_loop=1.0):
    D = _dist(Xap, Xuser, EX, EY)
    D_assign = _assign_ap(D, batch_num)
    g = -46.0 - 10.0 * EXPONENT * jnp.log(D_assign) / jnp.log(10.0)
    # shadowing_sigma == 0 in the original module, so the gaussian shadowing term vanishes
    g_linear = jnp.power(10.0, g / 10.0)
    G = g_linear
    power_propotional = 1.0 / jnp.power(jnp.diagonal(g_linear, axis1=1, axis2=2), beta_open_loop)
    return (G, power_propotional)

if __name__ == "__main__":
    import jax
    _d = setup_inputs()
    print(jax.jit(kernel)(*tuple(_d.values())))

</pallas_src>

<mosaic_0001>
#map = affine_map<(d0, d1) -> (0, 0)>
#map1 = affine_map<(d0, d1) -> (0)>
module attributes {stable_mosaic.version = 14 : i64} {
  func.func @_compact_body(%arg0: i32, %arg1: i32, %arg2: memref<64x640xi32, #tpu.memory_space<hbm>>, %arg3: memref<16xi32, #tpu.memory_space<hbm>>, %arg4: memref<64x64xi32, #tpu.memory_space<hbm>>, %arg5: memref<32xi32, #tpu.memory_space<hbm>>, %arg6: memref<64x16xi32, #tpu.memory_space<hbm>>, %arg7: memref<4x640xi32, #tpu.memory_space<vmem>>, %arg8: memref<4x64xi32, #tpu.memory_space<vmem>>, %arg9: memref<4x16xi32, #tpu.memory_space<vmem>>, %arg10: memref<64x16xi32, #tpu.memory_space<vmem>>, %arg11: memref<64xi32, #tpu.memory_space<vmem>>, %arg12: memref<32xi32, #tpu.memory_space<vmem>>, %arg13: memref<16xi32, #tpu.memory_space<vmem>>) attributes {dimension_semantics = [#tpu.dimension_semantics<core_parallel>, #tpu.dimension_semantics<subcore_parallel>], iteration_bounds = array<i64: 1, 16>, scalar_prefetch = 0 : i64, scratch_operands = 7 : i64, tpu.core_type = #tpu.core_type<sc_vector_subcore>, window_params = [{transform_indices = #map}, {transform_indices = #map1}, {transform_indices = #map}, {transform_indices = #map1}, {transform_indices = #map}]} {
    %iota3A = tpu.iota {dimensions = array<i32: 0>} : vector<16xi32>
    %add3A = arith.constant 1 : i32
    %add3A_0 = vector.broadcast %add3A : i32 to vector<16xi32>
    %add3A_1 = arith.addi %iota3A, %add3A_0 : vector<16xi32>
    %min3A = arith.constant 15 : i32
    %min3A_2 = vector.broadcast %min3A : i32 to vector<16xi32>
    %min3A_3 = arith.minsi %add3A_1, %min3A_2 : vector<16xi32>
    %reshape3A = vector.shape_cast %min3A_3 : vector<16xi32> to vector<16x1xi32>
    %mul3A = arith.constant 4 : i32
    %mul3A_4 = arith.muli %arg1, %mul3A : i32
    "tpu.region"() ({
      %run_scoped3A = tpu.sem_alloc : memref<!tpu.dma_semaphore, #tpu.memory_space<semaphore_mem>>
      %dma_start3A = arith.constant 0 : i32
      %dma_start3A_271 = tpu.memref_slice %arg2[%mul3A_4, %dma_start3A] : memref<64x640xi32, #tpu.memory_space<hbm>> -> memref<4x640xi32, #tpu.memory_space<hbm>>
      %dma_start3A_272 = arith.constant 0 : i32
      %dma_start3A_273 = tpu.memref_slice %arg2[%mul3A_4, %dma_start3A_272] : memref<64x640xi32, #tpu.memory_space<hbm>> -> memref<4x640xi32, #tpu.memory_space<hbm>>
      tpu.enqueue_dma source(%dma_start3A_273 : memref<4x640xi32, #tpu.memory_space<hbm>>) target(%arg7 : memref<4x640xi32, #tpu.memory_space<vmem>>) target_semaphore(%run_scoped3A : memref<!tpu.dma_semaphore, #tpu.memory_space<semaphore_mem>>)
      %dma_wait3A = arith.constant 0 : i32
      %dma_wait3A_274 = tpu.memref_slice %arg2[%mul3A_4, %dma_wait3A] : memref<64x640xi32, #tpu.memory_space<hbm>> -> memref<4x640xi32, #tpu.memory_space<hbm>>
      %dma_wait3A_275 = arith.constant 0 : i32
      %dma_wait3A_276 = tpu.memref_slice %arg2[%mul3A_4, %dma_wait3A_275] : memref<64x640xi32, #tpu.memory_space<hbm>> -> memref<4x640xi32, #tpu.memory_space<hbm>>
      tpu.wait_dma2 semaphore(%run_scoped3A : memref<!tpu.dma_semaphore, #tpu.memory_space<semaphore_mem>>) src(%dma_wait3A_276 : memref<4x640xi32, #tpu.memory_space<hbm>>) dst(%arg7 : memref<4x640xi32, #tpu.memory_space<vmem>>)
      tpu.yield
    }) : () -> ()
    %broadcast_in_dim3A = arith.constant -1 : i32
    %broadcast_in_dim3A_5 = vector.broadcast %broadcast_in_dim3A : i32 to vector<16xi32>
    %swap3A = arith.constant 0 : i32
    %swap3A_6 = arith.index_cast %swap3A : i32 to index
    %swap3A_7 = arith.constant 0 : index
    %swap3A_8 = tpu.vector_load %arg8[%swap3A_6, %swap3A_7] {strides = array<i32>} : memref<4x64xi32, #tpu.memory_space<vmem>>, vector<16xi32>,
    tpu.vector_store %arg8[%swap3A_6, %swap3A_7], %broadcast_in_dim3A_5 {strides = array<i32>} : memref<4x64xi32, #tpu.memory_space<vmem>>, vector<16xi32>,
    %broadcast_in_dim3A_9 = arith.constant -1 : i32
    %broadcast_in_dim3A_10 = vector.broadcast %broadcast_in_dim3A_9 : i32 to vector<16xi32>
    %swap3A_11 = arith.constant 0 : i32
    %swap3A_12 = arith.index_cast %swap3A_11 : i32 to index
    %swap3A_13 = arith.constant 16 : index
    %swap3A_14 = tpu.vector_load %arg8[%swap3A_12, %swap3A_13] {strides = array<i32>} : memref<4x64xi32, #tpu.memory_space<vmem>>, vector<16xi32>,
    tpu.vector_store %arg8[%swap3A_12, %swap3A_13], %broadcast_in_dim3A_10 {strides = array<i32>} : memref<4x64xi32, #tpu.memory_space<vmem>>, vector<16xi32>,
    %broadcast_in_dim3A_15 = arith.constant -1 : i32
    %broadcast_in_dim3A_16 = vector.broadcast %broadcast_in_dim3A_15 : i32 to vector<16xi32>
    %swap3A_17 = arith.constant 0 : i32
    %swap3A_18 = arith.index_cast %swap3A_17 : i32 to index
    %swap3A_19 = arith.constant 32 : index
    %swap3A_20 = tpu.vector_load %arg8[%swap3A_18, %swap3A_19] {strides = array<i32>} : memref<4x64xi32, #tpu.memory_space<vmem>>, vector<16xi32>,
    tpu.vector_store %arg8[%swap3A_18, %swap3A_19], %broadcast_in_dim3A_16 {strides = array<i32>} : memref<4x64xi32, #tpu.memory_space<vmem>>, vector<16xi32>,
    %broadcast_in_dim3A_21 = arith.constant -1 : i32
    %broadcast_in_dim3A_22 = vector.broadcast %broadcast_in_dim3A_21 : i32 to vector<16xi32>
    %swap3A_23 = arith.constant 0 : i32
    %swap3A_24 = arith.index_cast %swap3A_23 : i32 to index
    %swap3A_25 = arith.constant 48 : index
    %swap3A_26 = tpu.vector_load %arg8[%swap3A_24, %swap3A_25] {strides = array<i32>} : memref<4x64xi32, #tpu.memory_space<vmem>>, vector<16xi32>,
    tpu.vector_store %arg8[%swap3A_24, %swap3A_25], %broadcast_in_dim3A_22 {strides = array<i32>} : memref<4x64xi32, #tpu.memory_space<vmem>>, vector<16xi32>,
    %scan3A = arith.constant 0 : i32
    %scan3A_27 = arith.constant 0 : i32
    %scan3A_28 = arith.constant 40 : i32
    %scan3A_29 = arith.addi %scan3A_27, %scan3A_28 : i32
    %scan3A_30 = arith.constant 1 : i32
    scf.for %scan3A_271 = %scan3A_27 to %scan3A_29 step %scan3A_30  : i32 {
      %mul3A_272 = arith.constant 16 : i32
      %mul3A_273 = arith.muli %scan3A_271, %mul3A_272 : i32
      %get3A_274 = arith.constant 0 : i32
      %get3A_275 = arith.index_cast %get3A_274 : i32 to index
      %get3A_276 = arith.index_cast %mul3A_273 : i32 to index
      %get3A_277 = tpu.vector_load %arg7[%get3A_275, %get3A_276] {strides = array<i32>} : memref<4x640xi32, #tpu.memory_space<vmem>>, vector<16xi32>,
      %mul3A_278 = arith.constant 1024 : i32
      %mul3A_279 = vector.broadcast %mul3A_278 : i32 to vector<16xi32>
      %mul3A_280 = arith.muli %get3A_277, %mul3A_279 : vector<16xi32>
      %add3A_281 = vector.broadcast %mul3A_273 : i32 to vector<16xi32>
      %add3A_282 = arith.addi %mul3A_280, %add3A_281 : vector<16xi32>
      %add3A_283 = arith.addi %add3A_282, %iota3A : vector<16xi32>
      %sort3A = arith.constant dense<true> : vector<16xi1>
      %sort3A_284, %sort3A_285, %sort3A_286 = tpu.sort %add3A_283, %add3A_283 masked %sort3A : (vector<16xi32>, vector<16xi32>, vector<16xi1>) -> (vector<16xi1>, vector<16xi32>, vector<16xi32>)
      %shift_right_logical3A = arith.constant 10 : i32
      %shift_right_logical3A_287 = vector.broadcast %shift_right_logical3A : i32 to vector<16xi32>
      %shift_right_logical3A_288 = arith.shrui %sort3A_285, %shift_right_logical3A_287 : vector<16xi32>
      %and3A = arith.constant 1023 : i32
      %and3A_289 = vector.broadcast %and3A : i32 to vector<16xi32>
      %and3A_290 = arith.andi %sort3A_285, %and3A_289 : vector<16xi32>
      %gather3A = vector.shape_cast %reshape3A : vector<16x1xi32> to vector<16xi32>
      %gather3A_291 = tpu.dynamic_gather %shift_right_logical3A_288[%gather3A] in [0] : vector<16xi32>, vector<16xi32> -> vector<16xi32>
      %ne3A = arith.cmpi ne, %shift_right_logical3A_288, %gather3A_291 : vector<16xi32>
      %eq3A_292 = arith.constant 15 : i32
      %eq3A_293 = vector.broadcast %eq3A_292 : i32 to vector<16xi32>
      %eq3A_294 = arith.cmpi eq, %iota3A, %eq3A_293 : vector<16xi32>
      %or3A = arith.ori %ne3A, %eq3A_294 : vector<16xi1>
      %broadcast_in_dim3A_295 = arith.constant 0 : i32
      %broadcast_in_dim3A_296 = vector.broadcast %broadcast_in_dim3A_295 : i32 to vector<16xi32>
      tpu.vector_store_idx %arg8[%broadcast_in_dim3A_296, %shift_right_logical3A_288], %and3A_290 masked %or3A : memref<4x64xi32, #tpu.memory_space<vmem>>[vector<16xi32>, vector<16xi32>], vector<16xi32>, vector<16xi1>
    }
    %scan3A_31 = arith.constant 40 : i32
    %broadcast_in_dim3A_32 = arith.constant 1280 : i32
    %broadcast_in_dim3A_33 = vector.broadcast %broadcast_in_dim3A_32 : i32 to vector<16xi32>
    %get3A = arith.constant 0 : i32
    %get3A_34 = arith.index_cast %get3A : i32 to index
    %get3A_35 = arith.constant 0 : index
    %get3A_36 = tpu.vector_load %arg8[%get3A_34, %get3A_35] {strides = array<i32>} : memref<4x64xi32, #tpu.memory_space<vmem>>, vector<16xi32>,
    %min3A_37 = arith.minsi %broadcast_in_dim3A_33, %get3A_36 : vector<16xi32>
    %get3A_38 = arith.constant 0 : i32
    %get3A_39 = arith.index_cast %get3A_38 : i32 to index
    %get3A_40 = arith.constant 16 : index
    %get3A_41 = tpu.vector_load %arg8[%get3A_39, %get3A_40] {strides = array<i32>} : memref<4x64xi32, #tpu.memory_space<vmem>>, vector<16xi32>,
    %min3A_42 = arith.minsi %min3A_37, %get3A_41 : vector<16xi32>
    %get3A_43 = arith.constant 0 : i32
    %get3A_44 = arith.index_cast %get3A_43 : i32 to index
    %get3A_45 = arith.constant 32 : index
    %get3A_46 = tpu.vector_load %arg8[%get3A_44, %get3A_45] {strides = array<i32>} : memref<4x64xi32, #tpu.memory_space<vmem>>, vector<16xi32>,
    %min3A_47 = arith.minsi %min3A_42, %get3A_46 : vector<16xi32>
    %get3A_48 = arith.constant 0 : i32
    %get3A_49 = arith.index_cast %get3A_48 : i32 to index
    %get3A_50 = arith.constant 48 : index
    %get3A_51 = tpu.vector_load %arg8[%get3A_49, %get3A_50] {strides = array<i32>} : memref<4x64xi32, #tpu.memory_space<vmem>>, vector<16xi32>,
    %min3A_52 = arith.minsi %min3A_47, %get3A_51 : vector<16xi32>
    %reduce_min3A = arith.constant true
    %reduce_min3A_53 = vector.broadcast %reduce_min3A : i1 to vector<16xi1>
    %reduce_min3A_54 = arith.constant -2147483648 : i32
    %reduce_min3A_55 = vector.broadcast %reduce_min3A_54 : i32 to vector<16xi32>
    %reduce_min3A_56 = arith.xori %min3A_52, %reduce_min3A_55 : vector<16xi32>
    %reduce_min3A_57 = tpu.scan <min>, %reduce_min3A_56 masked %reduce_min3A_53 : vector<16xi32>, vector<16xi1> -> vector<16xi32>
    %reduce_min3A_58 = arith.xori %reduce_min3A_57, %reduce_min3A_55 : vector<16xi32>
    %reduce_min3A_59 = vector.extract %reduce_min3A_58[15] : i32 from vector<16xi32>
    %broadcast_in_dim3A_60 = vector.broadcast %reduce_min3A_59 : i32 to vector<16xi32>
    %swap3A_61 = arith.constant 0 : i32
    %swap3A_62 = arith.index_cast %swap3A_61 : i32 to index
    %swap3A_63 = arith.constant 0 : index
    %swap3A_64 = tpu.vector_load %arg9[%swap3A_62, %swap3A_63] {strides = array<i32>} : memref<4x16xi32, #tpu.memory_space<vmem>>, vector<16xi32>,
    tpu.vector_store %arg9[%swap3A_62, %swap3A_63], %broadcast_in_dim3A_60 {strides = array<i32>} : memref<4x16xi32, #tpu.memory_space<vmem>>, vector<16xi32>,
    %broadcast_in_dim3A_65 = arith.constant -1 : i32
    %broadcast_in_dim3A_66 = vector.broadcast %broadcast_in_dim3A_65 : i32 to vector<16xi32>
    %swap3A_67 = arith.constant 1 : i32
    %swap3A_68 = arith.index_cast %swap3A_67 : i32 to index
    %swap3A_69 = arith.constant 0 : index
    %swap3A_70 = tpu.vector_load %arg8[%swap3A_68, %swap3A_69] {strides = array<i32>} : memref<4x64xi32, #tpu.memory_space<vmem>>, vector<16xi32>,
    tpu.vector_store %arg8[%swap3A_68, %swap3A_69], %broadcast_in_dim3A_66 {strides = array<i32>} : memref<4x64xi32, #tpu.memory_space<vmem>>, vector<16xi32>,
    %broadcast_in_dim3A_71 = arith.constant -1 : i32
    %broadcast_in_dim3A_72 = vector.broadcast %broadcast_in_dim3A_71 : i32 to vector<16xi32>
    %swap3A_73 = arith.constant 1 : i32
    %swap3A_74 = arith.index_cast %swap3A_73 : i32 to index
    %swap3A_75 = arith.constant 16 : index
    %swap3A_76 = tpu.vector_load %arg8[%swap3A_74, %swap3A_75] {strides = array<i32>} : memref<4x64xi32, #tpu.memory_space<vmem>>, vector<16xi32>,
    tpu.vector_store %arg8[%swap3A_74, %swap3A_75], %broadcast_in_dim3A_72 {strides = array<i32>} : memref<4x64xi32, #tpu.memory_space<vmem>>, vector<16xi32>,
    %broadcast_in_dim3A_77 = arith.constant -1 : i32
    %broadcast_in_dim3A_78 = vector.broadcast %broadcast_in_dim3A_77 : i32 to vector<16xi32>
    %swap3A_79 = arith.constant 1 : i32
    %swap3A_80 = arith.index_cast %swap3A_79 : i32 to index
    %swap3A_81 = arith.constant 32 : index
    %swap3A_82 = tpu.vector_load %arg8[%swap3A_80, %swap3A_81] {strides = array<i32>} : memref<4x64xi32, #tpu.memory_space<vmem>>, vector<16xi32>,
    tpu.vector_store %arg8[%swap3A_80, %swap3A_81], %broadcast_in_dim3A_78 {strides = array<i32>} : memref<4x64xi32, #tpu.memory_space<vmem>>, vector<16xi32>,
    %broadcast_in_dim3A_83 = arith.constant -1 : i32
    %broadcast_in_dim3A_84 = vector.broadcast %broadcast_in_dim3A_83 : i32 to vector<16xi32>
    %swap3A_85 = arith.constant 1 : i32
    %swap3A_86 = arith.index_cast %swap3A_85 : i32 to index
    %swap3A_87 = arith.constant 48 : index
    %swap3A_88 = tpu.vector_load %arg8[%swap3A_86, %swap3A_87] {strides = array<i32>} : memref<4x64xi32, #tpu.memory_space<vmem>>, vector<16xi32>,
    tpu.vector_store %arg8[%swap3A_86, %swap3A_87], %broadcast_in_dim3A_84 {strides = array<i32>} : memref<4x64xi32, #tpu.memory_space<vmem>>, vector<16xi32>,
    %scan3A_89 = arith.constant 0 : i32
    %scan3A_90 = arith.constant 0 : i32
    %scan3A_91 = arith.constant 40 : i32
    %scan3A_92 = arith.addi %scan3A_90, %scan3A_91 : i32
    %scan3A_93 = arith.constant 1 : i32
    scf.for %scan3A_271 = %scan3A_90 to %scan3A_92 step %scan3A_93  : i32 {
      %mul3A_272 = arith.constant 16 : i32
      %mul3A_273 = arith.muli %scan3A_271, %mul3A_272 : i32
      %get3A_274 = arith.constant 1 : i32
      %get3A_275 = arith.index_cast %get3A_274 : i32 to index
      %get3A_276 = arith.index_cast %mul3A_273 : i32 to index
      %get3A_277 = tpu.vector_load %arg7[%get3A_275, %get3A_276] {strides = array<i32>} : memref<4x640xi32, #tpu.memory_space<vmem>>, vector<16xi32>,
      %mul3A_278 = arith.constant 1024 : i32
      %mul3A_279 = vector.broadcast %mul3A_278 : i32 to vector<16xi32>
      %mul3A_280 = arith.muli %get3A_277, %mul3A_279 : vector<16xi32>
      %add3A_281 = vector.broadcast %mul3A_273 : i32 to vector<16xi32>
      %add3A_282 = arith.addi %mul3A_280, %add3A_281 : vector<16xi32>
      %add3A_283 = arith.addi %add3A_282, %iota3A : vector<16xi32>
      %sort3A = arith.constant dense<true> : vector<16xi1>
      %sort3A_284, %sort3A_285, %sort3A_286 = tpu.sort %add3A_283, %add3A_283 masked %sort3A : (vector<16xi32>, vector<16xi32>, vector<16xi1>) -> (vector<16xi1>, vector<16xi32>, vector<16xi32>)
      %shift_right_logical3A = arith.constant 10 : i32
      %shift_right_logical3A_287 = vector.broadcast %shift_right_logical3A : i32 to vector<16xi32>
      %shift_right_logical3A_288 = arith.shrui %sort3A_285, %shift_right_logical3A_287 : vector<16xi32>
      %and3A = arith.constant 1023 : i32
      %and3A_289 = vector.broadcast %and3A : i32 to vector<16xi32>
      %and3A_290 = arith.andi %sort3A_285, %and3A_289 : vector<16xi32>
      %gather3A = vector.shape_cast %reshape3A : vector<16x1xi32> to vector<16xi32>
      %gather3A_291 = tpu.dynamic_gather %shift_right_logical3A_288[%gather3A] in [0] : vector<16xi32>, vector<16xi32> -> vector<16xi32>
      %ne3A = arith.cmpi ne, %shift_right_logical3A_288, %gather3A_291 : vector<16xi32>
      %eq3A_292 = arith.constant 15 : i32
      %eq3A_293 = vector.broadcast %eq3A_292 : i32 to vector<16xi32>
      %eq3A_294 = arith.cmpi eq, %iota3A, %eq3A_293 : vector<16xi32>
      %or3A = arith.ori %ne3A, %eq3A_294 : vector<16xi1>
      %broadcast_in_dim3A_295 = arith.constant 1 : i32
      %broadcast_in_dim3A_296 = vector.broadcast %broadcast_in_dim3A_295 : i32 to vector<16xi32>
      tpu.vector_store_idx %arg8[%broadcast_in_dim3A_296, %shift_right_logical3A_288], %and3A_290 masked %or3A : memref<4x64xi32, #tpu.memory_space<vmem>>[vector<16xi32>, vector<16xi32>], vector<16xi32>, vector<16xi1>
    }
    %scan3A_94 = arith.constant 40 : i32
    %broadcast_in_dim3A_95 = arith.constant 1280 : i32
    %broadcast_in_dim3A_96 = vector.broadcast %broadcast_in_dim3A_95 : i32 to vector<16xi32>
    %get3A_97 = arith.constant 1 : i32
    %get3A_98 = arith.index_cast %get3A_97 : i32 to index
    %get3A_99 = arith.constant 0 : index
    %get3A_100 = tpu.vector_load %arg8[%get3A_98, %get3A_99] {strides = array<i32>} : memref<4x64xi32, #tpu.memory_space<vmem>>, vector<16xi32>,
    %min3A_101 = arith.minsi %broadcast_in_dim3A_96, %get3A_100 : vector<16xi32>
    %get3A_102 = arith.constant 1 : i32
    %get3A_103 = arith.index_cast %get3A_102 : i32 to index
    %get3A_104 = arith.constant 16 : index
    %get3A_105 = tpu.vector_load %arg8[%get3A_103, %get3A_104] {strides = array<i32>} : memref<4x64xi32, #tpu.memory_space<vmem>>, vector<16xi32>,
    %min3A_106 = arith.minsi %min3A_101, %get3A_105 : vector<16xi32>
    %get3A_107 = arith.constant 1 : i32
    %get3A_108 = arith.index_cast %get3A_107 : i32 to index
    %get3A_109 = arith.constant 32 : index
    %get3A_110 = tpu.vector_load %arg8[%get3A_108, %get3A_109] {strides = array<i32>} : memref<4x64xi32, #tpu.memory_space<vmem>>, vector<16xi32>,
    %min3A_111 = arith.minsi %min3A_106, %get3A_110 : vector<16xi32>
    %get3A_112 = arith.constant 1 : i32
    %get3A_113 = arith.index_cast %get3A_112 : i32 to index
    %get3A_114 = arith.constant 48 : index
    %get3A_115 = tpu.vector_load %arg8[%get3A_113, %get3A_114] {strides = array<i32>} : memref<4x64xi32, #tpu.memory_space<vmem>>, vector<16xi32>,
    %min3A_116 = arith.minsi %min3A_111, %get3A_115 : vector<16xi32>
    %reduce_min3A_117 = arith.constant true
    %reduce_min3A_118 = vector.broadcast %reduce_min3A_117 : i1 to vector<16xi1>
    %reduce_min3A_119 = arith.constant -2147483648 : i32
    %reduce_min3A_120 = vector.broadcast %reduce_min3A_119 : i32 to vector<16xi32>
    %reduce_min3A_121 = arith.xori %min3A_116, %reduce_min3A_120 : vector<16xi32>
    %reduce_min3A_122 = tpu.scan <min>, %reduce_min3A_121 masked %reduce_min3A_118 : vector<16xi32>, vector<16xi1> -> vector<16xi32>
    %reduce_min3A_123 = arith.xori %reduce_min3A_122, %reduce_min3A_120 : vector<16xi32>
    %reduce_min3A_124 = vector.extract %reduce_min3A_123[15] : i32 from vector<16xi32>
    %broadcast_in_dim3A_125 = vector.broadcast %reduce_min3A_124 : i32 to vector<16xi32>
    %swap3A_126 = arith.constant 1 : i32
    %swap3A_127 = arith.index_cast %swap3A_126 : i32 to index
    %swap3A_128 = arith.constant 0 : index
    %swap3A_129 = tpu.vector_load %arg9[%swap3A_127, %swap3A_128] {strides = array<i32>} : memref<4x16xi32, #tpu.memory_space<vmem>>, vector<16xi32>,
    tpu.vector_store %arg9[%swap3A_127, %swap3A_128], %broadcast_in_dim3A_125 {strides = array<i32>} : memref<4x16xi32, #tpu.memory_space<vmem>>, vector<16xi32>,
    %broadcast_in_dim3A_130 = arith.constant -1 : i32
    %broadcast_in_dim3A_131 = vector.broadcast %broadcast_in_dim3A_130 : i32 to vector<16xi32>
    %swap3A_132 = arith.constant 2 : i32
    %swap3A_133 = arith.index_cast %swap3A_132 : i32 to index
    %swap3A_134 = arith.constant 0 : index
    %swap3A_135 = tpu.vector_load %arg8[%swap3A_133, %swap3A_134] {strides = array<i32>} : memref<4x64xi32, #tpu.memory_space<vmem>>, vector<16xi32>,
    tpu.vector_store %arg8[%swap3A_133, %swap3A_134], %broadcast_in_dim3A_131 {strides = array<i32>} : memref<4x64xi32, #tpu.memory_space<vmem>>, vector<16xi32>,
    %broadcast_in_dim3A_136 = arith.constant -1 : i32
    %broadcast_in_dim3A_137 = vector.broadcast %broadcast_in_dim3A_136 : i32 to vector<16xi32>
    %swap3A_138 = arith.constant 2 : i32
    %swap3A_139 = arith.index_cast %swap3A_138 : i32 to index
    %swap3A_140 = arith.constant 16 : index
    %swap3A_141 = tpu.vector_load %arg8[%swap3A_139, %swap3A_140] {strides = array<i32>} : memref<4x64xi32, #tpu.memory_space<vmem>>, vector<16xi32>,
    tpu.vector_store %arg8[%swap3A_139, %swap3A_140], %broadcast_in_dim3A_137 {strides = array<i32>} : memref<4x64xi32, #tpu.memory_space<vmem>>, vector<16xi32>,
    %broadcast_in_dim3A_142 = arith.constant -1 : i32
    %broadcast_in_dim3A_143 = vector.broadcast %broadcast_in_dim3A_142 : i32 to vector<16xi32>
    %swap3A_144 = arith.constant 2 : i32
    %swap3A_145 = arith.index_cast %swap3A_144 : i32 to index
    %swap3A_146 = arith.constant 32 : index
    %swap3A_147 = tpu.vector_load %arg8[%swap3A_145, %swap3A_146] {strides = array<i32>} : memref<4x64xi32, #tpu.memory_space<vmem>>, vector<16xi32>,
    tpu.vector_store %arg8[%swap3A_145, %swap3A_146], %broadcast_in_dim3A_143 {strides = array<i32>} : memref<4x64xi32, #tpu.memory_space<vmem>>, vector<16xi32>,
    %broadcast_in_dim3A_148 = arith.constant -1 : i32
    %broadcast_in_dim3A_149 = vector.broadcast %broadcast_in_dim3A_148 : i32 to vector<16xi32>
    %swap3A_150 = arith.constant 2 : i32
    %swap3A_151 = arith.index_cast %swap3A_150 : i32 to index
    %swap3A_152 = arith.constant 48 : index
    %swap3A_153 = tpu.vector_load %arg8[%swap3A_151, %swap3A_152] {strides = array<i32>} : memref<4x64xi32, #tpu.memory_space<vmem>>, vector<16xi32>,
    tpu.vector_store %arg8[%swap3A_151, %swap3A_152], %broadcast_in_dim3A_149 {strides = array<i32>} : memref<4x64xi32, #tpu.memory_space<vmem>>, vector<16xi32>,
    %scan3A_154 = arith.constant 0 : i32
    %scan3A_155 = arith.constant 0 : i32
    %scan3A_156 = arith.constant 40 : i32
    %scan3A_157 = arith.addi %scan3A_155, %scan3A_156 : i32
    %scan3A_158 = arith.constant 1 : i32
    scf.for %scan3A_271 = %scan3A_155 to %scan3A_157 step %scan3A_158  : i32 {
      %mul3A_272 = arith.constant 16 : i32
      %mul3A_273 = arith.muli %scan3A_271, %mul3A_272 : i32
      %get3A_274 = arith.constant 2 : i32
      %get3A_275 = arith.index_cast %get3A_274 : i32 to index
      %get3A_276 = arith.index_cast %mul3A_273 : i32 to index
      %get3A_277 = tpu.vector_load %arg7[%get3A_275, %get3A_276] {strides = array<i32>} : memref<4x640xi32, #tpu.memory_space<vmem>>, vector<16xi32>,
      %mul3A_278 = arith.constant 1024 : i32
      %mul3A_279 = vector.broadcast %mul3A_278 : i32 to vector<16xi32>
      %mul3A_280 = arith.muli %get3A_277, %mul3A_279 : vector<16xi32>
      %add3A_281 = vector.broadcast %mul3A_273 : i32 to vector<16xi32>
      %add3A_282 = arith.addi %mul3A_280, %add3A_281 : vector<16xi32>
      %add3A_283 = arith.addi %add3A_282, %iota3A : vector<16xi32>
      %sort3A = arith.constant dense<true> : vector<16xi1>
      %sort3A_284, %sort3A_285, %sort3A_286 = tpu.sort %add3A_283, %add3A_283 masked %sort3A : (vector<16xi32>, vector<16xi32>, vector<16xi1>) -> (vector<16xi1>, vector<16xi32>, vector<16xi32>)
      %shift_right_logical3A = arith.constant 10 : i32
      %shift_right_logical3A_287 = vector.broadcast %shift_right_logical3A : i32 to vector<16xi32>
      %shift_right_logical3A_288 = arith.shrui %sort3A_285, %shift_right_logical3A_287 : vector<16xi32>
      %and3A = arith.constant 1023 : i32
      %and3A_289 = vector.broadcast %and3A : i32 to vector<16xi32>
      %and3A_290 = arith.andi %sort3A_285, %and3A_289 : vector<16xi32>
      %gather3A = vector.shape_cast %reshape3A : vector<16x1xi32> to vector<16xi32>
      %gather3A_291 = tpu.dynamic_gather %shift_right_logical3A_288[%gather3A] in [0] : vector<16xi32>, vector<16xi32> -> vector<16xi32>
      %ne3A = arith.cmpi ne, %shift_right_logical3A_288, %gather3A_291 : vector<16xi32>
      %eq3A_292 = arith.constant 15 : i32
      %eq3A_293 = vector.broadcast %eq3A_292 : i32 to vector<16xi32>
      %eq3A_294 = arith.cmpi eq, %iota3A, %eq3A_293 : vector<16xi32>
      %or3A = arith.ori %ne3A, %eq3A_294 : vector<16xi1>
      %broadcast_in_dim3A_295 = arith.constant 2 : i32
      %broadcast_in_dim3A_296 = vector.broadcast %broadcast_in_dim3A_295 : i32 to vector<16xi32>
      tpu.vector_store_idx %arg8[%broadcast_in_dim3A_296, %shift_right_logical3A_288], %and3A_290 masked %or3A : memref<4x64xi32, #tpu.memory_space<vmem>>[vector<16xi32>, vector<16xi32>], vector<16xi32>, vector<16xi1>
    }
    %scan3A_159 = arith.constant 40 : i32
    %broadcast_in_dim3A_160 = arith.constant 1280 : i32
    %broadcast_in_dim3A_161 = vector.broadcast %broadcast_in_dim3A_160 : i32 to vector<16xi32>
    %get3A_162 = arith.constant 2 : i32
    %get3A_163 = arith.index_cast %get3A_162 : i32 to index
    %get3A_164 = arith.constant 0 : index
    %get3A_165 = tpu.vector_load %arg8[%get3A_163, %get3A_164] {strides = array<i32>} : memref<4x64xi32, #tpu.memory_space<vmem>>, vector<16xi32>,
    %min3A_166 = arith.minsi %broadcast_in_dim3A_161, %get3A_165 : vector<16xi32>
    %get3A_167 = arith.constant 2 : i32
    %get3A_168 = arith.index_cast %get3A_167 : i32 to index
    %get3A_169 = arith.constant 16 : index
    %get3A_170 = tpu.vector_load %arg8[%get3A_168, %get3A_169] {strides = array<i32>} : memref<4x64xi32, #tpu.memory_space<vmem>>, vector<16xi32>,
    %min3A_171 = arith.minsi %min3A_166, %get3A_170 : vector<16xi32>
    %get3A_172 = arith.constant 2 : i32
    %get3A_173 = arith.index_cast %get3A_172 : i32 to index
    %get3A_174 = arith.constant 32 : index
    %get3A_175 = tpu.vector_load %arg8[%get3A_173, %get3A_174] {strides = array<i32>} : memref<4x64xi32, #tpu.memory_space<vmem>>, vector<16xi32>,
    %min3A_176 = arith.minsi %min3A_171, %get3A_175 : vector<16xi32>
    %get3A_177 = arith.constant 2 : i32
    %get3A_178 = arith.index_cast %get3A_177 : i32 to index
    %get3A_179 = arith.constant 48 : index
    %get3A_180 = tpu.vector_load %arg8[%get3A_178, %get3A_179] {strides = array<i32>} : memref<4x64xi32, #tpu.memory_space<vmem>>, vector<16xi32>,
    %min3A_181 = arith.minsi %min3A_176, %get3A_180 : vector<16xi32>
    %reduce_min3A_182 = arith.constant true
    %reduce_min3A_183 = vector.broadcast %reduce_min3A_182 : i1 to vector<16xi1>
    %reduce_min3A_184 = arith.constant -2147483648 : i32
    %reduce_min3A_185 = vector.broadcast %reduce_min3A_184 : i32 to vector<16xi32>
    %reduce_min3A_186 = arith.xori %min3A_181, %reduce_min3A_185 : vector<16xi32>
    %reduce_min3A_187 = tpu.scan <min>, %reduce_min3A_186 masked %reduce_min3A_183 : vector<16xi32>, vector<16xi1> -> vector<16xi32>
    %reduce_min3A_188 = arith.xori %reduce_min3A_187, %reduce_min3A_185 : vector<16xi32>
    %reduce_min3A_189 = vector.extract %reduce_min3A_188[15] : i32 from vector<16xi32>
    %broadcast_in_dim3A_190 = vector.broadcast %reduce_min3A_189 : i32 to vector<16xi32>
    %swap3A_191 = arith.constant 2 : i32
    %swap3A_192 = arith.index_cast %swap3A_191 : i32 to index
    %swap3A_193 = arith.constant 0 : index
    %swap3A_194 = tpu.vector_load %arg9[%swap3A_192, %swap3A_193] {strides = array<i32>} : memref<4x16xi32, #tpu.memory_space<vmem>>, vector<16xi32>,
    tpu.vector_store %arg9[%swap3A_192, %swap3A_193], %broadcast_in_dim3A_190 {strides = array<i32>} : memref<4x16xi32, #tpu.memory_space<vmem>>, vector<16xi32>,
    %broadcast_in_dim3A_195 = arith.constant -1 : i32
    %broadcast_in_dim3A_196 = vector.broadcast %broadcast_in_dim3A_195 : i32 to vector<16xi32>
    %swap3A_197 = arith.constant 3 : i32
    %swap3A_198 = arith.index_cast %swap3A_197 : i32 to index
    %swap3A_199 = arith.constant 0 : index
    %swap3A_200 = tpu.vector_load %arg8[%swap3A_198, %swap3A_199] {strides = array<i32>} : memref<4x64xi32, #tpu.memory_space<vmem>>, vector<16xi32>,
    tpu.vector_store %arg8[%swap3A_198, %swap3A_199], %broadcast_in_dim3A_196 {strides = array<i32>} : memref<4x64xi32, #tpu.memory_space<vmem>>, vector<16xi32>,
    %broadcast_in_dim3A_201 = arith.constant -1 : i32
    %broadcast_in_dim3A_202 = vector.broadcast %broadcast_in_dim3A_201 : i32 to vector<16xi32>
    %swap3A_203 = arith.constant 3 : i32
    %swap3A_204 = arith.index_cast %swap3A_203 : i32 to index
    %swap3A_205 = arith.constant 16 : index
    %swap3A_206 = tpu.vector_load %arg8[%swap3A_204, %swap3A_205] {strides = array<i32>} : memref<4x64xi32, #tpu.memory_space<vmem>>, vector<16xi32>,
    tpu.vector_store %arg8[%swap3A_204, %swap3A_205], %broadcast_in_dim3A_202 {strides = array<i32>} : memref<4x64xi32, #tpu.memory_space<vmem>>, vector<16xi32>,
    %broadcast_in_dim3A_207 = arith.constant -1 : i32
    %broadcast_in_dim3A_208 = vector.broadcast %broadcast_in_dim3A_207 : i32 to vector<16xi32>
    %swap3A_209 = arith.constant 3 : i32
    %swap3A_210 = arith.index_cast %swap3A_209 : i32 to index
    %swap3A_211 = arith.constant 32 : index
    %swap3A_212 = tpu.vector_load %arg8[%swap3A_210, %swap3A_211] {strides = array<i32>} : memref<4x64xi32, #tpu.memory_space<vmem>>, vector<16xi32>,
    tpu.vector_store %arg8[%swap3A_210, %swap3A_211], %broadcast_in_dim3A_208 {strides = array<i32>} : memref<4x64xi32, #tpu.memory_space<vmem>>, vector<16xi32>,
    %broadcast_in_dim3A_213 = arith.constant -1 : i32
    %broadcast_in_dim3A_214 = vector.broadcast %broadcast_in_dim3A_213 : i32 to vector<16xi32>
    %swap3A_215 = arith.constant 3 : i32
    %swap3A_216 = arith.index_cast %swap3A_215 : i32 to index
    %swap3A_217 = arith.constant 48 : index
    %swap3A_218 = tpu.vector_load %arg8[%swap3A_216, %swap3A_217] {strides = array<i32>} : memref<4x64xi32, #tpu.memory_space<vmem>>, vector<16xi32>,
    tpu.vector_store %arg8[%swap3A_216, %swap3A_217], %broadcast_in_dim3A_214 {strides = array<i32>} : memref<4x64xi32, #tpu.memory_space<vmem>>, vector<16xi32>,
    %scan3A_219 = arith.constant 0 : i32
    %scan3A_220 = arith.constant 0 : i32
    %scan3A_221 = arith.constant 40 : i32
    %scan3A_222 = arith.addi %scan3A_220, %scan3A_221 : i32
    %scan3A_223 = arith.constant 1 : i32
    scf.for %scan3A_271 = %scan3A_220 to %scan3A_222 step %scan3A_223  : i32 {
      %mul3A_272 = arith.constant 16 : i32
      %mul3A_273 = arith.muli %scan3A_271, %mul3A_272 : i32
      %get3A_274 = arith.constant 3 : i32
      %get3A_275 = arith.index_cast %get3A_274 : i32 to index
      %get3A_276 = arith.index_cast %mul3A_273 : i32 to index
      %get3A_277 = tpu.vector_load %arg7[%get3A_275, %get3A_276] {strides = array<i32>} : memref<4x640xi32, #tpu.memory_space<vmem>>, vector<16xi32>,
      %mul3A_278 = arith.constant 1024 : i32
      %mul3A_279 = vector.broadcast %mul3A_278 : i32 to vector<16xi32>
      %mul3A_280 = arith.muli %get3A_277, %mul3A_279 : vector<16xi32>
      %add3A_281 = vector.broadcast %mul3A_273 : i32 to vector<16xi32>
      %add3A_282 = arith.addi %mul3A_280, %add3A_281 : vector<16xi32>
      %add3A_283 = arith.addi %add3A_282, %iota3A : vector<16xi32>
      %sort3A = arith.constant dense<true> : vector<16xi1>
      %sort3A_284, %sort3A_285, %sort3A_286 = tpu.sort %add3A_283, %add3A_283 masked %sort3A : (vector<16xi32>, vector<16xi32>, vector<16xi1>) -> (vector<16xi1>, vector<16xi32>, vector<16xi32>)
      %shift_right_logical3A = arith.constant 10 : i32
      %shift_right_logical3A_287 = vector.broadcast %shift_right_logical3A : i32 to vector<16xi32>
      %shift_right_logical3A_288 = arith.shrui %sort3A_285, %shift_right_logical3A_287 : vector<16xi32>
      %and3A = arith.constant 1023 : i32
      %and3A_289 = vector.broadcast %and3A : i32 to vector<16xi32>
      %and3A_290 = arith.andi %sort3A_285, %and3A_289 : vector<16xi32>
      %gather3A = vector.shape_cast %reshape3A : vector<16x1xi32> to vector<16xi32>
      %gather3A_291 = tpu.dynamic_gather %shift_right_logical3A_288[%gather3A] in [0] : vector<16xi32>, vector<16xi32> -> vector<16xi32>
      %ne3A = arith.cmpi ne, %shift_right_logical3A_288, %gather3A_291 : vector<16xi32>
      %eq3A_292 = arith.constant 15 : i32
      %eq3A_293 = vector.broadcast %eq3A_292 : i32 to vector<16xi32>
      %eq3A_294 = arith.cmpi eq, %iota3A, %eq3A_293 : vector<16xi32>
      %or3A = arith.ori %ne3A, %eq3A_294 : vector<16xi1>
      %broadcast_in_dim3A_295 = arith.constant 3 : i32
      %broadcast_in_dim3A_296 = vector.broadcast %broadcast_in_dim3A_295 : i32 to vector<16xi32>
      tpu.vector_store_idx %arg8[%broadcast_in_dim3A_296, %shift_right_logical3A_288], %and3A_290 masked %or3A : memref<4x64xi32, #tpu.memory_space<vmem>>[vector<16xi32>, vector<16xi32>], vector<16xi32>, vector<16xi1>
    }
    %scan3A_224 = arith.constant 40 : i32
    %broadcast_in_dim3A_225 = arith.constant 1280 : i32
    %broadcast_in_dim3A_226 = vector.broadcast %broadcast_in_dim3A_225 : i32 to vector<16xi32>
    %get3A_227 = arith.constant 3 : i32
    %get3A_228 = arith.index_cast %get3A_227 : i32 to index
    %get3A_229 = arith.constant 0 : index
    %get3A_230 = tpu.vector_load %arg8[%get3A_228, %get3A_229] {strides = array<i32>} : memref<4x64xi32, #tpu.memory_space<vmem>>, vector<16xi32>,
    %min3A_231 = arith.minsi %broadcast_in_dim3A_226, %get3A_230 : vector<16xi32>
    %get3A_232 = arith.constant 3 : i32
    %get3A_233 = arith.index_cast %get3A_232 : i32 to index
    %get3A_234 = arith.constant 16 : index
    %get3A_235 = tpu.vector_load %arg8[%get3A_233, %get3A_234] {strides = array<i32>} : memref<4x64xi32, #tpu.memory_space<vmem>>, vector<16xi32>,
    %min3A_236 = arith.minsi %min3A_231, %get3A_235 : vector<16xi32>
    %get3A_237 = arith.constant 3 : i32
    %get3A_238 = arith.index_cast %get3A_237 : i32 to index
    %get3A_239 = arith.constant 32 : index
    %get3A_240 = tpu.vector_load %arg8[%get3A_238, %get3A_239] {strides = array<i32>} : memref<4x64xi32, #tpu.memory_space<vmem>>, vector<16xi32>,
    %min3A_241 = arith.minsi %min3A_236, %get3A_240 : vector<16xi32>
    %get3A_242 = arith.constant 3 : i32
    %get3A_243 = arith.index_cast %get3A_242 : i32 to index
    %get3A_244 = arith.constant 48 : index
    %get3A_245 = tpu.vector_load %arg8[%get3A_243, %get3A_244] {strides = array<i32>} : memref<4x64xi32, #tpu.memory_space<vmem>>, vector<16xi32>,
    %min3A_246 = arith.minsi %min3A_241, %get3A_245 : vector<16xi32>
    %reduce_min3A_247 = arith.constant true
    %reduce_min3A_248 = vector.broadcast %reduce_min3A_247 : i1 to vector<16xi1>
    %reduce_min3A_249 = arith.constant -2147483648 : i32
    %reduce_min3A_250 = vector.broadcast %reduce_min3A_249 : i32 to vector<16xi32>
    %reduce_min3A_251 = arith.xori %min3A_246, %reduce_min3A_250 : vector<16xi32>
    %reduce_min3A_252 = tpu.scan <min>, %reduce_min3A_251 masked %reduce_min3A_248 : vector<16xi32>, vector<16xi1> -> vector<16xi32>
    %reduce_min3A_253 = arith.xori %reduce_min3A_252, %reduce_min3A_250 : vector<16xi32>
    %reduce_min3A_254 = vector.extract %reduce_min3A_253[15] : i32 from vector<16xi32>
    %broadcast_in_dim3A_255 = vector.broadcast %reduce_min3A_254 : i32 to vector<16xi32>
    %swap3A_256 = arith.constant 3 : i32
    %swap3A_257 = arith.index_cast %swap3A_256 : i32 to index
    %swap3A_258 = arith.constant 0 : index
    %swap3A_259 = tpu.vector_load %arg9[%swap3A_257, %swap3A_258] {strides = array<i32>} : memref<4x16xi32, #tpu.memory_space<vmem>>, vector<16xi32>,
    tpu.vector_store %arg9[%swap3A_257, %swap3A_258], %broadcast_in_dim3A_255 {strides = array<i32>} : memref<4x16xi32, #tpu.memory_space<vmem>>, vector<16xi32>,
    %mul3A_260 = arith.constant 4 : i32
    %mul3A_261 = arith.muli %arg1, %mul3A_260 : i32
    "tpu.region"() ({
      %run_scoped3A = tpu.sem_alloc : memref<!tpu.dma_semaphore, #tpu.memory_space<semaphore_mem>>
      %dma_start3A = arith.constant 0 : i32
      %dma_start3A_271 = tpu.memref_slice %arg4[%mul3A_261, %dma_start3A] : memref<64x64xi32, #tpu.memory_space<hbm>> -> memref<4x64xi32, #tpu.memory_space<hbm>>
      %dma_start3A_272 = arith.constant 0 : i32
      %dma_start3A_273 = tpu.memref_slice %arg4[%mul3A_261, %dma_start3A_272] : memref<64x64xi32, #tpu.memory_space<hbm>> -> memref<4x64xi32, #tpu.memory_space<hbm>>
      tpu.enqueue_dma source(%arg8 : memref<4x64xi32, #tpu.memory_space<vmem>>) target(%dma_start3A_273 : memref<4x64xi32, #tpu.memory_space<hbm>>) target_semaphore(%run_scoped3A : memref<!tpu.dma_semaphore, #tpu.memory_space<semaphore_mem>>)
      %dma_wait3A = arith.constant 0 : i32
      %dma_wait3A_274 = tpu.memref_slice %arg4[%mul3A_261, %dma_wait3A] : memref<64x64xi32, #tpu.memory_space<hbm>> -> memref<4x64xi32, #tpu.memory_space<hbm>>
      %dma_wait3A_275 = arith.constant 0 : i32
      %dma_wait3A_276 = tpu.memref_slice %arg4[%mul3A_261, %dma_wait3A_275] : memref<64x64xi32, #tpu.memory_space<hbm>> -> memref<4x64xi32, #tpu.memory_space<hbm>>
      tpu.wait_dma2 semaphore(%run_scoped3A : memref<!tpu.dma_semaphore, #tpu.memory_space<semaphore_mem>>) src(%arg8 : memref<4x64xi32, #tpu.memory_space<vmem>>) dst(%dma_wait3A_276 : memref<4x64xi32, #tpu.memory_space<hbm>>)
      tpu.yield
    }) : () -> ()
    %mul3A_262 = arith.constant 4 : i32
    %mul3A_263 = arith.muli %arg1, %mul3A_262 : i32
    "tpu.region"() ({
      %run_scoped3A = tpu.sem_alloc : memref<!tpu.dma_semaphore, #tpu.memory_space<semaphore_mem>>
      %dma_start3A = arith.constant 0 : i32
      %dma_start3A_271 = tpu.memref_slice %arg6[%mul3A_263, %dma_start3A] : memref<64x16xi32, #tpu.memory_space<hbm>> -> memref<4x16xi32, #tpu.memory_space<hbm>>
      %dma_start3A_272 = arith.constant 0 : i32
      %dma_start3A_273 = tpu.memref_slice %arg6[%mul3A_263, %dma_start3A_272] : memref<64x16xi32, #tpu.memory_space<hbm>> -> memref<4x16xi32, #tpu.memory_space<hbm>>
      tpu.enqueue_dma source(%arg9 : memref<4x16xi32, #tpu.memory_space<vmem>>) target(%dma_start3A_273 : memref<4x16xi32, #tpu.memory_space<hbm>>) target_semaphore(%run_scoped3A : memref<!tpu.dma_semaphore, #tpu.memory_space<semaphore_mem>>)
      %dma_wait3A = arith.constant 0 : i32
      %dma_wait3A_274 = tpu.memref_slice %arg6[%mul3A_263, %dma_wait3A] : memref<64x16xi32, #tpu.memory_space<hbm>> -> memref<4x16xi32, #tpu.memory_space<hbm>>
      %dma_wait3A_275 = arith.constant 0 : i32
      %dma_wait3A_276 = tpu.memref_slice %arg6[%mul3A_263, %dma_wait3A_275] : memref<64x16xi32, #tpu.memory_space<hbm>> -> memref<4x16xi32, #tpu.memory_space<hbm>>
      tpu.wait_dma2 semaphore(%run_scoped3A : memref<!tpu.dma_semaphore, #tpu.memory_space<semaphore_mem>>) src(%arg9 : memref<4x16xi32, #tpu.memory_space<vmem>>) dst(%dma_wait3A_276 : memref<4x16xi32, #tpu.memory_space<hbm>>)
      tpu.yield
    }) : () -> ()
    %eq3A = arith.constant 0 : i32
    %eq3A_264 = arith.cmpi eq, %arg1, %eq3A : i32
    %convert_element_type3A = arith.extui %eq3A_264 : i1 to i32
    %cond3A = arith.constant 0 : i32
    %cond3A_265 = arith.cmpi ne, %convert_element_type3A, %cond3A : i32
    scf.if %cond3A_265 {
      "tpu.region"() ({
        %run_scoped3A = tpu.sem_alloc : memref<!tpu.dma_semaphore, #tpu.memory_space<semaphore_mem>>
        tpu.enqueue_dma source(%arg3 : memref<16xi32, #tpu.memory_space<hbm>>) target(%arg13 : memref<16xi32, #tpu.memory_space<vmem>>) target_semaphore(%run_scoped3A : memref<!tpu.dma_semaphore, #tpu.memory_space<semaphore_mem>>)
        tpu.wait_dma2 semaphore(%run_scoped3A : memref<!tpu.dma_semaphore, #tpu.memory_space<semaphore_mem>>) src(%arg3 : memref<16xi32, #tpu.memory_space<hbm>>) dst(%arg13 : memref<16xi32, #tpu.memory_space<vmem>>)
        tpu.yield
      }) : () -> ()
    } else {
    }
    %barrier3A = arith.constant 0 : index
    tpu.barrier barrier_id(%barrier3A)
    %eq3A_266 = arith.constant 0 : i32
    %eq3A_267 = arith.cmpi eq, %arg1, %eq3A_266 : i32
    %convert_element_type3A_268 = arith.extui %eq3A_267 : i1 to i32
    %cond3A_269 = arith.constant 0 : i32
    %cond3A_270 = arith.cmpi ne, %convert_element_type3A_268, %cond3A_269 : i32
    scf.if %cond3A_270 {
      "tpu.region"() ({
        %run_scoped3A = tpu.sem_alloc : memref<!tpu.dma_semaphore, #tpu.memory_space<semaphore_mem>>
        tpu.enqueue_dma source(%arg6 : memref<64x16xi32, #tpu.memory_space<hbm>>) target(%arg10 : memref<64x16xi32, #tpu.memory_space<vmem>>) target_semaphore(%run_scoped3A : memref<!tpu.dma_semaphore, #tpu.memory_space<semaphore_mem>>)
        tpu.wait_dma2 semaphore(%run_scoped3A : memref<!tpu.dma_semaphore, #tpu.memory_space<semaphore_mem>>) src(%arg6 : memref<64x16xi32, #tpu.memory_space<hbm>>) dst(%arg10 : memref<64x16xi32, #tpu.memory_space<vmem>>)
        tpu.yield
      }) : () -> ()
      %broadcast_in_dim3A_271 = arith.constant 0 : i32
      %broadcast_in_dim3A_272 = vector.broadcast %broadcast_in_dim3A_271 : i32 to vector<16xi32>
      %add3A_273 = arith.constant 0 : i32
      %add3A_274 = vector.broadcast %add3A_273 : i32 to vector<16xi32>
      %add3A_275 = arith.addi %add3A_274, %iota3A : vector<16xi32>
      %gather3A = tpu.vector_load_idx %arg10[%add3A_275, %broadcast_in_dim3A_272] : memref<64x16xi32, #tpu.memory_space<vmem>>[vector<16xi32>, vector<16xi32>], vector<16xi32>,
      %ge3A = arith.constant 0 : i32
      %ge3A_276 = vector.broadcast %ge3A : i32 to vector<16xi32>
      %ge3A_277 = arith.cmpi sge, %gather3A, %ge3A_276 : vector<16xi32>
      %jit3A = arith.constant 1 : i32
      %jit3A_278 = arith.constant 0 : i32
      %broadcast_in_dim3A_279 = vector.broadcast %jit3A : i32 to vector<16xi32>
      %broadcast_in_dim3A_280 = vector.broadcast %jit3A_278 : i32 to vector<16xi32>
      %select_n3A = arith.select %ge3A_277, %broadcast_in_dim3A_279, %broadcast_in_dim3A_280 : vector<16xi1>, vector<16xi32>
      %broadcast_in_dim3A_281 = arith.constant true
      %broadcast_in_dim3A_282 = vector.broadcast %broadcast_in_dim3A_281 : i1 to vector<16xi1>
      %masked_cumsum3A = tpu.scan <sum>, %select_n3A masked %broadcast_in_dim3A_282 : vector<16xi32>, vector<16xi1> -> vector<16xi32>
      %reduce_max3A = arith.constant true
      %reduce_max3A_283 = vector.broadcast %reduce_max3A : i1 to vector<16xi1>
      %reduce_max3A_284 = arith.constant -2147483648 : i32
      %reduce_max3A_285 = vector.broadcast %reduce_max3A_284 : i32 to vector<16xi32>
      %reduce_max3A_286 = arith.xori %masked_cumsum3A, %reduce_max3A_285 : vector<16xi32>
      %reduce_max3A_287 = tpu.scan <max>, %reduce_max3A_286 masked %reduce_max3A_283 : vector<16xi32>, vector<16xi1> -> vector<16xi32>
      %reduce_max3A_288 = arith.xori %reduce_max3A_287, %reduce_max3A_285 : vector<16xi32>
      %reduce_max3A_289 = vector.extract %reduce_max3A_288[15] : i32 from vector<16xi32>
      %add3A_290 = arith.constant 0 : i32
      %add3A_291 = arith.addi %add3A_290, %reduce_max3A_289 : i32
      %add3A_292 = arith.constant 16 : i32
      %add3A_293 = vector.broadcast %add3A_292 : i32 to vector<16xi32>
      %add3A_294 = arith.addi %add3A_293, %iota3A : vector<16xi32>
      %gather3A_295 = tpu.vector_load_idx %arg10[%add3A_294, %broadcast_in_dim3A_272] : memref<64x16xi32, #tpu.memory_space<vmem>>[vector<16xi32>, vector<16xi32>], vector<16xi32>,
      %ge3A_296 = arith.constant 0 : i32
      %ge3A_297 = vector.broadcast %ge3A_296 : i32 to vector<16xi32>
      %ge3A_298 = arith.cmpi sge, %gather3A_295, %ge3A_297 : vector<16xi32>
      %jit3A_299 = arith.constant 1 : i32
      %jit3A_300 = arith.constant 0 : i32
      %broadcast_in_dim3A_301 = vector.broadcast %jit3A_299 : i32 to vector<16xi32>
      %broadcast_in_dim3A_302 = vector.broadcast %jit3A_300 : i32 to vector<16xi32>
      %select_n3A_303 = arith.select %ge3A_298, %broadcast_in_dim3A_301, %broadcast_in_dim3A_302 : vector<16xi1>, vector<16xi32>
      %broadcast_in_dim3A_304 = arith.constant true
      %broadcast_in_dim3A_305 = vector.broadcast %broadcast_in_dim3A_304 : i1 to vector<16xi1>
      %masked_cumsum3A_306 = tpu.scan <sum>, %select_n3A_303 masked %broadcast_in_dim3A_305 : vector<16xi32>, vector<16xi1> -> vector<16xi32>
      %reduce_max3A_307 = arith.constant true
      %reduce_max3A_308 = vector.broadcast %reduce_max3A_307 : i1 to vector<16xi1>
      %reduce_max3A_309 = arith.constant -2147483648 : i32
      %reduce_max3A_310 = vector.broadcast %reduce_max3A_309 : i32 to vector<16xi32>
      %reduce_max3A_311 = arith.xori %masked_cumsum3A_306, %reduce_max3A_310 : vector<16xi32>
      %reduce_max3A_312 = tpu.scan <max>, %reduce_max3A_311 masked %reduce_max3A_308 : vector<16xi32>, vector<16xi1> -> vector<16xi32>
      %reduce_max3A_313 = arith.xori %reduce_max3A_312, %reduce_max3A_310 : vector<16xi32>
      %reduce_max3A_314 = vector.extract %reduce_max3A_313[15] : i32 from vector<16xi32>
      %add3A_315 = arith.addi %add3A_291, %reduce_max3A_314 : i32
      %add3A_316 = arith.constant 32 : i32
      %add3A_317 = vector.broadcast %add3A_316 : i32 to vector<16xi32>
      %add3A_318 = arith.addi %add3A_317, %iota3A : vector<16xi32>
      %gather3A_319 = tpu.vector_load_idx %arg10[%add3A_318, %broadcast_in_dim3A_272] : memref<64x16xi32, #tpu.memory_space<vmem>>[vector<16xi32>, vector<16xi32>], vector<16xi32>,
      %ge3A_320 = arith.constant 0 : i32
      %ge3A_321 = vector.broadcast %ge3A_320 : i32 to vector<16xi32>
      %ge3A_322 = arith.cmpi sge, %gather3A_319, %ge3A_321 : vector<16xi32>
      %jit3A_323 = arith.constant 1 : i32
      %jit3A_324 = arith.constant 0 : i32
      %broadcast_in_dim3A_325 = vector.broadcast %jit3A_323 : i32 to vector<16xi32>
      %broadcast_in_dim3A_326 = vector.broadcast %jit3A_324 : i32 to vector<16xi32>
      %select_n3A_327 = arith.select %ge3A_322, %broadcast_in_dim3A_325, %broadcast_in_dim3A_326 : vector<16xi1>, vector<16xi32>
      %broadcast_in_dim3A_328 = arith.constant true
      %broadcast_in_dim3A_329 = vector.broadcast %broadcast_in_dim3A_328 : i1 to vector<16xi1>
      %masked_cumsum3A_330 = tpu.scan <sum>, %select_n3A_327 masked %broadcast_in_dim3A_329 : vector<16xi32>, vector<16xi1> -> vector<16xi32>
      %reduce_max3A_331 = arith.constant true
      %reduce_max3A_332 = vector.broadcast %reduce_max3A_331 : i1 to vector<16xi1>
      %reduce_max3A_333 = arith.constant -2147483648 : i32
      %reduce_max3A_334 = vector.broadcast %reduce_max3A_333 : i32 to vector<16xi32>
      %reduce_max3A_335 = arith.xori %masked_cumsum3A_330, %reduce_max3A_334 : vector<16xi32>
      %reduce_max3A_336 = tpu.scan <max>, %reduce_max3A_335 masked %reduce_max3A_332 : vector<16xi32>, vector<16xi1> -> vector<16xi32>
      %reduce_max3A_337 = arith.xori %reduce_max3A_336, %reduce_max3A_334 : vector<16xi32>
      %reduce_max3A_338 = vector.extract %reduce_max3A_337[15] : i32 from vector<16xi32>
      %add3A_339 = arith.addi %add3A_315, %reduce_max3A_338 : i32
      %add3A_340 = arith.constant 48 : i32
      %add3A_341 = vector.broadcast %add3A_340 : i32 to vector<16xi32>
      %add3A_342 = arith.addi %add3A_341, %iota3A : vector<16xi32>
      %gather3A_343 = tpu.vector_load_idx %arg10[%add3A_342, %broadcast_in_dim3A_272] : memref<64x16xi32, #tpu.memory_space<vmem>>[vector<16xi32>, vector<16xi32>], vector<16xi32>,
      %ge3A_344 = arith.constant 0 : i32
      %ge3A_345 = vector.broadcast %ge3A_344 : i32 to vector<16xi32>
      %ge3A_346 = arith.cmpi sge, %gather3A_343, %ge3A_345 : vector<16xi32>
      %jit3A_347 = arith.constant 1 : i32
      %jit3A_348 = arith.constant 0 : i32
      %broadcast_in_dim3A_349 = vector.broadcast %jit3A_347 : i32 to vector<16xi32>
      %broadcast_in_dim3A_350 = vector.broadcast %jit3A_348 : i32 to vector<16xi32>
      %select_n3A_351 = arith.select %ge3A_346, %broadcast_in_dim3A_349, %broadcast_in_dim3A_350 : vector<16xi1>, vector<16xi32>
      %broadcast_in_dim3A_352 = arith.constant true
      %broadcast_in_dim3A_353 = vector.broadcast %broadcast_in_dim3A_352 : i1 to vector<16xi1>
      %masked_cumsum3A_354 = tpu.scan <sum>, %select_n3A_351 masked %broadcast_in_dim3A_353 : vector<16xi32>, vector<16xi1> -> vector<16xi32>
      %reduce_max3A_355 = arith.constant true
      %reduce_max3A_356 = vector.broadcast %reduce_max3A_355 : i1 to vector<16xi1>
      %reduce_max3A_357 = arith.constant -2147483648 : i32
      %reduce_max3A_358 = vector.broadcast %reduce_max3A_357 : i32 to vector<16xi32>
      %reduce_max3A_359 = arith.xori %masked_cumsum3A_354, %reduce_max3A_358 : vector<16xi32>
      %reduce_max3A_360 = tpu.scan <max>, %reduce_max3A_359 masked %reduce_max3A_356 : vector<16xi32>, vector<16xi1> -> vector<16xi32>
      %reduce_max3A_361 = arith.xori %reduce_max3A_360, %reduce_max3A_358 : vector<16xi32>
      %reduce_max3A_362 = vector.extract %reduce_max3A_361[15] : i32 from vector<16xi32>
      %add3A_363 = arith.addi %add3A_339, %reduce_max3A_362 : i32
      %broadcast_in_dim3A_364 = arith.constant true
      %broadcast_in_dim3A_365 = vector.broadcast %broadcast_in_dim3A_364 : i1 to vector<16xi1>
      %masked_cumsum3A_366 = tpu.scan <sum>, %select_n3A masked %broadcast_in_dim3A_365 : vector<16xi32>, vector<16xi1> -> vector<16xi32>
      %sub3A = arith.constant 1 : i32
      %sub3A_367 = vector.broadcast %sub3A : i32 to vector<16xi32>
      %sub3A_368 = arith.subi %sub3A_367, %select_n3A : vector<16xi32>
      %broadcast_in_dim3A_369 = arith.constant true
      %broadcast_in_dim3A_370 = vector.broadcast %broadcast_in_dim3A_369 : i1 to vector<16xi1>
      %masked_cumsum3A_371 = tpu.scan <sum>, %sub3A_368 masked %broadcast_in_dim3A_370 : vector<16xi32>, vector<16xi1> -> vector<16xi32>
      %eq3A_372 = arith.constant 1 : i32
      %eq3A_373 = vector.broadcast %eq3A_372 : i32 to vector<16xi32>
      %eq3A_374 = arith.cmpi eq, %select_n3A, %eq3A_373 : vector<16xi32>
      %add3A_375 = arith.constant 0 : i32
      %add3A_376 = vector.broadcast %add3A_375 : i32 to vector<16xi32>
      %add3A_377 = arith.addi %add3A_376, %masked_cumsum3A_366 : vector<16xi32>
      %sub3A_378 = arith.constant 1 : i32
      %sub3A_379 = vector.broadcast %sub3A_378 : i32 to vector<16xi32>
      %sub3A_380 = arith.subi %add3A_377, %sub3A_379 : vector<16xi32>
      %add3A_381 = arith.constant 0 : i32
      %add3A_382 = arith.addi %add3A_363, %add3A_381 : i32
      %add3A_383 = vector.broadcast %add3A_382 : i32 to vector<16xi32>
      %add3A_384 = arith.addi %add3A_383, %masked_cumsum3A_371 : vector<16xi32>
      %sub3A_385 = arith.constant 1 : i32
      %sub3A_386 = vector.broadcast %sub3A_385 : i32 to vector<16xi32>
      %sub3A_387 = arith.subi %add3A_384, %sub3A_386 : vector<16xi32>
      %select_n3A_388 = arith.select %eq3A_374, %sub3A_380, %sub3A_387 : vector<16xi1>, vector<16xi32>
      %add3A_389 = arith.constant 0 : i32
      %add3A_390 = vector.broadcast %add3A_389 : i32 to vector<16xi32>
      %add3A_391 = arith.addi %add3A_390, %iota3A : vector<16xi32>
      tpu.vector_store_idx %arg11[%select_n3A_388], %add3A_391 : memref<64xi32, #tpu.memory_space<vmem>>[vector<16xi32>], vector<16xi32>,
      %reduce_max3A_392 = arith.constant true
      %reduce_max3A_393 = vector.broadcast %reduce_max3A_392 : i1 to vector<16xi1>
      %reduce_max3A_394 = arith.constant -2147483648 : i32
      %reduce_max3A_395 = vector.broadcast %reduce_max3A_394 : i32 to vector<16xi32>
      %reduce_max3A_396 = arith.xori %masked_cumsum3A_366, %reduce_max3A_395 : vector<16xi32>
      %reduce_max3A_397 = tpu.scan <max>, %reduce_max3A_396 masked %reduce_max3A_393 : vector<16xi32>, vector<16xi1> -> vector<16xi32>
      %reduce_max3A_398 = arith.xori %reduce_max3A_397, %reduce_max3A_395 : vector<16xi32>
      %reduce_max3A_399 = vector.extract %reduce_max3A_398[15] : i32 from vector<16xi32>
      %add3A_400 = arith.constant 0 : i32
      %add3A_401 = arith.addi %add3A_400, %reduce_max3A_399 : i32
      %sub3A_402 = arith.constant 16 : i32
      %sub3A_403 = arith.subi %sub3A_402, %reduce_max3A_399 : i32
      %add3A_404 = arith.constant 0 : i32
      %add3A_405 = arith.addi %add3A_404, %sub3A_403 : i32
      %broadcast_in_dim3A_406 = arith.constant true
      %broadcast_in_dim3A_407 = vector.broadcast %broadcast_in_dim3A_406 : i1 to vector<16xi1>
      %masked_cumsum3A_408 = tpu.scan <sum>, %select_n3A_303 masked %broadcast_in_dim3A_407 : vector<16xi32>, vector<16xi1> -> vector<16xi32>
      %sub3A_409 = arith.constant 1 : i32
      %sub3A_410 = vector.broadcast %sub3A_409 : i32 to vector<16xi32>
      %sub3A_411 = arith.subi %sub3A_410, %select_n3A_303 : vector<16xi32>
      %broadcast_in_dim3A_412 = arith.constant true
      %broadcast_in_dim3A_413 = vector.broadcast %broadcast_in_dim3A_412 : i1 to vector<16xi1>
      %masked_cumsum3A_414 = tpu.scan <sum>, %sub3A_411 masked %broadcast_in_dim3A_413 : vector<16xi32>, vector<16xi1> -> vector<16xi32>
      %eq3A_415 = arith.constant 1 : i32
      %eq3A_416 = vector.broadcast %eq3A_415 : i32 to vector<16xi32>
      %eq3A_417 = arith.cmpi eq, %select_n3A_303, %eq3A_416 : vector<16xi32>
      %add3A_418 = vector.broadcast %add3A_401 : i32 to vector<16xi32>
      %add3A_419 = arith.addi %add3A_418, %masked_cumsum3A_408 : vector<16xi32>
      %sub3A_420 = arith.constant 1 : i32
      %sub3A_421 = vector.broadcast %sub3A_420 : i32 to vector<16xi32>
      %sub3A_422 = arith.subi %add3A_419, %sub3A_421 : vector<16xi32>
      %add3A_423 = arith.addi %add3A_363, %add3A_405 : i32
      %add3A_424 = vector.broadcast %add3A_423 : i32 to vector<16xi32>
      %add3A_425 = arith.addi %add3A_424, %masked_cumsum3A_414 : vector<16xi32>
      %sub3A_426 = arith.constant 1 : i32
      %sub3A_427 = vector.broadcast %sub3A_426 : i32 to vector<16xi32>
      %sub3A_428 = arith.subi %add3A_425, %sub3A_427 : vector<16xi32>
      %select_n3A_429 = arith.select %eq3A_417, %sub3A_422, %sub3A_428 : vector<16xi1>, vector<16xi32>
      %add3A_430 = arith.constant 16 : i32
      %add3A_431 = vector.broadcast %add3A_430 : i32 to vector<16xi32>
      %add3A_432 = arith.addi %add3A_431, %iota3A : vector<16xi32>
      tpu.vector_store_idx %arg11[%select_n3A_429], %add3A_432 : memref<64xi32, #tpu.memory_space<vmem>>[vector<16xi32>], vector<16xi32>,
      %reduce_max3A_433 = arith.constant true
      %reduce_max3A_434 = vector.broadcast %reduce_max3A_433 : i1 to vector<16xi1>
      %reduce_max3A_435 = arith.constant -2147483648 : i32
      %reduce_max3A_436 = vector.broadcast %reduce_max3A_435 : i32 to vector<16xi32>
      %reduce_max3A_437 = arith.xori %masked_cumsum3A_408, %reduce_max3A_436 : vector<16xi32>
      %reduce_max3A_438 = tpu.scan <max>, %reduce_max3A_437 masked %reduce_max3A_434 : vector<16xi32>, vector<16xi1> -> vector<16xi32>
      %reduce_max3A_439 = arith.xori %reduce_max3A_438, %reduce_max3A_436 : vector<16xi32>
      %reduce_max3A_440 = vector.extract %reduce_max3A_439[15] : i32 from vector<16xi32>
      %add3A_441 = arith.addi %add3A_401, %reduce_max3A_440 : i32
      %sub3A_442 = arith.constant 16 : i32
      %sub3A_443 = arith.subi %sub3A_442, %reduce_max3A_440 : i32
      %add3A_444 = arith.addi %add3A_405, %sub3A_443 : i32
      %broadcast_in_dim3A_445 = arith.constant true
      %broadcast_in_dim3A_446 = vector.broadcast %broadcast_in_dim3A_445 : i1 to vector<16xi1>
      %masked_cumsum3A_447 = tpu.scan <sum>, %select_n3A_327 masked %broadcast_in_dim3A_446 : vector<16xi32>, vector<16xi1> -> vector<16xi32>
      %sub3A_448 = arith.constant 1 : i32
      %sub3A_449 = vector.broadcast %sub3A_448 : i32 to vector<16xi32>
      %sub3A_450 = arith.subi %sub3A_449, %select_n3A_327 : vector<16xi32>
      %broadcast_in_dim3A_451 = arith.constant true
      %broadcast_in_dim3A_452 = vector.broadcast %broadcast_in_dim3A_451 : i1 to vector<16xi1>
      %masked_cumsum3A_453 = tpu.scan <sum>, %sub3A_450 masked %broadcast_in_dim3A_452 : vector<16xi32>, vector<16xi1> -> vector<16xi32>
      %eq3A_454 = arith.constant 1 : i32
      %eq3A_455 = vector.broadcast %eq3A_454 : i32 to vector<16xi32>
      %eq3A_456 = arith.cmpi eq, %select_n3A_327, %eq3A_455 : vector<16xi32>
      %add3A_457 = vector.broadcast %add3A_441 : i32 to vector<16xi32>
      %add3A_458 = arith.addi %add3A_457, %masked_cumsum3A_447 : vector<16xi32>
      %sub3A_459 = arith.constant 1 : i32
      %sub3A_460 = vector.broadcast %sub3A_459 : i32 to vector<16xi32>
      %sub3A_461 = arith.subi %add3A_458, %sub3A_460 : vector<16xi32>
      %add3A_462 = arith.addi %add3A_363, %add3A_444 : i32
      %add3A_463 = vector.broadcast %add3A_462 : i32 to vector<16xi32>
      %add3A_464 = arith.addi %add3A_463, %masked_cumsum3A_453 : vector<16xi32>
      %sub3A_465 = arith.constant 1 : i32
      %sub3A_466 = vector.broadcast %sub3A_465 : i32 to vector<16xi32>
      %sub3A_467 = arith.subi %add3A_464, %sub3A_466 : vector<16xi32>
      %select_n3A_468 = arith.select %eq3A_456, %sub3A_461, %sub3A_467 : vector<16xi1>, vector<16xi32>
      %add3A_469 = arith.constant 32 : i32
      %add3A_470 = vector.broadcast %add3A_469 : i32 to vector<16xi32>
      %add3A_471 = arith.addi %add3A_470, %iota3A : vector<16xi32>
      tpu.vector_store_idx %arg11[%select_n3A_468], %add3A_471 : memref<64xi32, #tpu.memory_space<vmem>>[vector<16xi32>], vector<16xi32>,
      %reduce_max3A_472 = arith.constant true
      %reduce_max3A_473 = vector.broadcast %reduce_max3A_472 : i1 to vector<16xi1>
      %reduce_max3A_474 = arith.constant -2147483648 : i32
      %reduce_max3A_475 = vector.broadcast %reduce_max3A_474 : i32 to vector<16xi32>
      %reduce_max3A_476 = arith.xori %masked_cumsum3A_447, %reduce_max3A_475 : vector<16xi32>
      %reduce_max3A_477 = tpu.scan <max>, %reduce_max3A_476 masked %reduce_max3A_473 : vector<16xi32>, vector<16xi1> -> vector<16xi32>
      %reduce_max3A_478 = arith.xori %reduce_max3A_477, %reduce_max3A_475 : vector<16xi32>
      %reduce_max3A_479 = vector.extract %reduce_max3A_478[15] : i32 from vector<16xi32>
      %add3A_480 = arith.addi %add3A_441, %reduce_max3A_479 : i32
      %sub3A_481 = arith.constant 16 : i32
      %sub3A_482 = arith.subi %sub3A_481, %reduce_max3A_479 : i32
      %add3A_483 = arith.addi %add3A_444, %sub3A_482 : i32
      %broadcast_in_dim3A_484 = arith.constant true
      %broadcast_in_dim3A_485 = vector.broadcast %broadcast_in_dim3A_484 : i1 to vector<16xi1>
      %masked_cumsum3A_486 = tpu.scan <sum>, %select_n3A_351 masked %broadcast_in_dim3A_485 : vector<16xi32>, vector<16xi1> -> vector<16xi32>
      %sub3A_487 = arith.constant 1 : i32
      %sub3A_488 = vector.broadcast %sub3A_487 : i32 to vector<16xi32>
      %sub3A_489 = arith.subi %sub3A_488, %select_n3A_351 : vector<16xi32>
      %broadcast_in_dim3A_490 = arith.constant true
      %broadcast_in_dim3A_491 = vector.broadcast %broadcast_in_dim3A_490 : i1 to vector<16xi1>
      %masked_cumsum3A_492 = tpu.scan <sum>, %sub3A_489 masked %broadcast_in_dim3A_491 : vector<16xi32>, vector<16xi1> -> vector<16xi32>
      %eq3A_493 = arith.constant 1 : i32
      %eq3A_494 = vector.broadcast %eq3A_493 : i32 to vector<16xi32>
      %eq3A_495 = arith.cmpi eq, %select_n3A_351, %eq3A_494 : vector<16xi32>
      %add3A_496 = vector.broadcast %add3A_480 : i32 to vector<16xi32>
      %add3A_497 = arith.addi %add3A_496, %masked_cumsum3A_486 : vector<16xi32>
      %sub3A_498 = arith.constant 1 : i32
      %sub3A_499 = vector.broadcast %sub3A_498 : i32 to vector<16xi32>
      %sub3A_500 = arith.subi %add3A_497, %sub3A_499 : vector<16xi32>
      %add3A_501 = arith.addi %add3A_363, %add3A_483 : i32
      %add3A_502 = vector.broadcast %add3A_501 : i32 to vector<16xi32>
      %add3A_503 = arith.addi %add3A_502, %masked_cumsum3A_492 : vector<16xi32>
      %sub3A_504 = arith.constant 1 : i32
      %sub3A_505 = vector.broadcast %sub3A_504 : i32 to vector<16xi32>
      %sub3A_506 = arith.subi %add3A_503, %sub3A_505 : vector<16xi32>
      %select_n3A_507 = arith.select %eq3A_495, %sub3A_500, %sub3A_506 : vector<16xi1>, vector<16xi32>
      %add3A_508 = arith.constant 48 : i32
      %add3A_509 = vector.broadcast %add3A_508 : i32 to vector<16xi32>
      %add3A_510 = arith.addi %add3A_509, %iota3A : vector<16xi32>
      tpu.vector_store_idx %arg11[%select_n3A_507], %add3A_510 : memref<64xi32, #tpu.memory_space<vmem>>[vector<16xi32>], vector<16xi32>,
      %reduce_max3A_511 = arith.constant true
      %reduce_max3A_512 = vector.broadcast %reduce_max3A_511 : i1 to vector<16xi1>
      %reduce_max3A_513 = arith.constant -2147483648 : i32
      %reduce_max3A_514 = vector.broadcast %reduce_max3A_513 : i32 to vector<16xi32>
      %reduce_max3A_515 = arith.xori %masked_cumsum3A_486, %reduce_max3A_514 : vector<16xi32>
      %reduce_max3A_516 = tpu.scan <max>, %reduce_max3A_515 masked %reduce_max3A_512 : vector<16xi32>, vector<16xi1> -> vector<16xi32>
      %reduce_max3A_517 = arith.xori %reduce_max3A_516, %reduce_max3A_514 : vector<16xi32>
      %reduce_max3A_518 = vector.extract %reduce_max3A_517[15] : i32 from vector<16xi32>
      %add3A_519 = arith.addi %add3A_480, %reduce_max3A_518 : i32
      %sub3A_520 = arith.constant 16 : i32
      %sub3A_521 = arith.subi %sub3A_520, %reduce_max3A_518 : i32
      %add3A_522 = arith.addi %add3A_483, %sub3A_521 : i32
      %get3A_523 = arith.constant 0 : index
      %get3A_524 = tpu.vector_load %arg11[%get3A_523] {strides = array<i32>} : memref<64xi32, #tpu.memory_space<vmem>>, vector<16xi32>,
      %get3A_525 = arith.constant 0 : index
      %get3A_526 = tpu.vector_load %arg13[%get3A_525] {strides = array<i32>} : memref<16xi32, #tpu.memory_space<vmem>>, vector<16xi32>,
      %add3A_527 = arith.addi %get3A_524, %get3A_526 : vector<16xi32>
      %swap3A_528 = arith.constant 0 : index
      %swap3A_529 = tpu.vector_load %arg12[%swap3A_528] {strides = array<i32>} : memref<32xi32, #tpu.memory_space<vmem>>, vector<16xi32>,
      tpu.vector_store %arg12[%swap3A_528], %add3A_527 {strides = array<i32>} : memref<32xi32, #tpu.memory_space<vmem>>, vector<16xi32>,
      %get3A_530 = arith.constant 16 : index
      %get3A_531 = tpu.vector_load %arg11[%get3A_530] {strides = array<i32>} : memref<64xi32, #tpu.memory_space<vmem>>, vector<16xi32>,
      %get3A_532 = arith.constant 0 : index
      %get3A_533 = tpu.vector_load %arg13[%get3A_532] {strides = array<i32>} : memref<16xi32, #tpu.memory_space<vmem>>, vector<16xi32>,
      %add3A_534 = arith.addi %get3A_531, %get3A_533 : vector<16xi32>
      %swap3A_535 = arith.constant 16 : index
      %swap3A_536 = tpu.vector_load %arg12[%swap3A_535] {strides = array<i32>} : memref<32xi32, #tpu.memory_space<vmem>>, vector<16xi32>,
      tpu.vector_store %arg12[%swap3A_535], %add3A_534 {strides = array<i32>} : memref<32xi32, #tpu.memory_space<vmem>>, vector<16xi32>,
      "tpu.region"() ({
        %run_scoped3A = tpu.sem_alloc : memref<!tpu.dma_semaphore, #tpu.memory_space<semaphore_mem>>
        tpu.enqueue_dma source(%arg12 : memref<32xi32, #tpu.memory_space<vmem>>) target(%arg5 : memref<32xi32, #tpu.memory_space<hbm>>) target_semaphore(%run_scoped3A : memref<!tpu.dma_semaphore, #tpu.memory_space<semaphore_mem>>)
        tpu.wait_dma2 semaphore(%run_scoped3A : memref<!tpu.dma_semaphore, #tpu.memory_space<semaphore_mem>>) src(%arg12 : memref<32xi32, #tpu.memory_space<vmem>>) dst(%arg5 : memref<32xi32, #tpu.memory_space<hbm>>)
        tpu.yield
      }) : () -> ()
    } else {
    }
    return
  }
}

module attributes {stable_mosaic.version = 14 : i64} {
  func.func @_assign_body(%arg0: i32, %arg1: memref<32x1x640xf32, #tpu.memory_space<vmem>>, %arg2: memref<32x1x640xf32, #tpu.memory_space<vmem>>, %arg3: memref<32x64x1xf32, #tpu.memory_space<vmem>>, %arg4: memref<32x64x1xf32, #tpu.memory_space<vmem>>, %arg5: memref<32x1x640xi32, #tpu.memory_space<vmem>>) attributes {dimension_semantics = [#tpu.dimension_semantics<arbitrary>], iteration_bounds = array<i64: 2>, scalar_prefetch = 0 : i64, scratch_operands = 0 : i64, tpu.core_type = #tpu.core_type<tc>, window_params = [{transform_indices = @transform_0, window_bounds = array<i64: 32, 1, 640>}, {transform_indices = @transform_1, window_bounds = array<i64: 32, 1, 640>}, {transform_indices = @transform_2, window_bounds = array<i64: 32, 64, 1>}, {transform_indices = @transform_3, window_bounds = array<i64: 32, 64, 1>}, {transform_indices = @transform_4, window_bounds = array<i64: 32, 1, 640>}]} {
    %get3A = arith.constant 0 : index
    %get3A_0 = arith.constant 0 : index
    %get3A_1 = arith.constant 0 : index
    %get3A_2 = vector.load %arg3[%get3A, %get3A_0, %get3A_1] : memref<32x64x1xf32, #tpu.memory_space<vmem>>, vector<32x64x1xf32>
    %get3A_3 = arith.constant 0 : index
    %get3A_4 = arith.constant 0 : index
    %get3A_5 = arith.constant 0 : index
    %get3A_6 = vector.load %arg4[%get3A_3, %get3A_4, %get3A_5] : memref<32x64x1xf32, #tpu.memory_space<vmem>>, vector<32x64x1xf32>
    %get3A_7 = arith.constant 0 : index
    %get3A_8 = arith.constant 0 : index
    %get3A_9 = arith.constant 0 : index
    %get3A_10 = vector.load %arg1[%get3A_7, %get3A_8, %get3A_9] : memref<32x1x640xf32, #tpu.memory_space<vmem>>, vector<32x1x640xf32>
    %get3A_11 = arith.constant 0 : index
    %get3A_12 = arith.constant 0 : index
    %get3A_13 = arith.constant 0 : index
    %get3A_14 = vector.load %arg2[%get3A_11, %get3A_12, %get3A_13] : memref<32x1x640xf32, #tpu.memory_space<vmem>>, vector<32x1x640xf32>
    %sub3A = vector.broadcast %get3A_2 : vector<32x64x1xf32> to vector<32x64x640xf32>
    %sub3A_15 = vector.broadcast %get3A_10 : vector<32x1x640xf32> to vector<32x64x640xf32>
    %sub3A_16 = arith.subf %sub3A, %sub3A_15 : vector<32x64x640xf32>
    %abs3A = math.absf %sub3A_16 : vector<32x64x640xf32>
    %sub3A_17 = vector.broadcast %get3A_6 : vector<32x64x1xf32> to vector<32x64x640xf32>
    %sub3A_18 = vector.broadcast %get3A_14 : vector<32x1x640xf32> to vector<32x64x640xf32>
    %sub3A_19 = arith.subf %sub3A_17, %sub3A_18 : vector<32x64x640xf32>
    %abs3A_20 = math.absf %sub3A_19 : vector<32x64x640xf32>
    %sub3A_21 = arith.constant 1.000000e+02 : f32
    %sub3A_22 = vector.broadcast %sub3A_21 : f32 to vector<32x64x640xf32>
    %sub3A_23 = arith.subf %sub3A_22, %abs3A : vector<32x64x640xf32>
    %min3A = arith.minimumf %abs3A, %sub3A_23 : vector<32x64x640xf32>
    %sub3A_24 = arith.constant 1.000000e+02 : f32
    %sub3A_25 = vector.broadcast %sub3A_24 : f32 to vector<32x64x640xf32>
    %sub3A_26 = arith.subf %sub3A_25, %abs3A_20 : vector<32x64x640xf32>
    %min3A_27 = arith.minimumf %abs3A_20, %sub3A_26 : vector<32x64x640xf32>
    %mul3A = arith.mulf %min3A, %min3A : vector<32x64x640xf32>
    %mul3A_28 = arith.mulf %min3A_27, %min3A_27 : vector<32x64x640xf32>
    %add3A = arith.addf %mul3A, %mul3A_28 : vector<32x64x640xf32>
    %add3A_29 = arith.constant 1.000000e+00 : f32
    %add3A_30 = vector.broadcast %add3A_29 : f32 to vector<32x64x640xf32>
    %add3A_31 = arith.addf %add3A, %add3A_30 : vector<32x64x640xf32>
    %reduce_min3A = arith.constant dense<0x7F800000> : vector<32x640xf32>
    %reduce_min3A_32 = vector.multi_reduction <minimumf>, %add3A_31, %reduce_min3A [1] : vector<32x64x640xf32> to vector<32x640xf32>
    %broadcast_in_dim3A = vector.shape_cast %reduce_min3A_32 : vector<32x640xf32> to vector<32x1x640xf32>
    %iota3A = tpu.iota {dimensions = array<i32: 1>} : vector<32x64x640xi32>
    %eq3A = vector.broadcast %broadcast_in_dim3A : vector<32x1x640xf32> to vector<32x64x640xf32>
    %eq3A_33 = arith.cmpf oeq, %add3A_31, %eq3A : vector<32x64x640xf32>
    %jit3A = arith.constant 64 : i32
    %broadcast_in_dim3A_34 = vector.broadcast %jit3A : i32 to vector<32x64x640xi32>
    %select_n3A = arith.select %eq3A_33, %iota3A, %broadcast_in_dim3A_34 : vector<32x64x640xi1>, vector<32x64x640xi32>
    %reduce_min3A_35 = arith.constant dense<2147483647> : vector<32x640xi32>
    %reduce_min3A_36 = vector.multi_reduction <minsi>, %select_n3A, %reduce_min3A_35 [1] : vector<32x64x640xi32> to vector<32x640xi32>
    %broadcast_in_dim3A_37 = vector.shape_cast %reduce_min3A_36 : vector<32x640xi32> to vector<32x1x640xi32>
    %swap3A = arith.constant 0 : index
    %swap3A_38 = arith.constant 0 : index
    %swap3A_39 = arith.constant 0 : index
    %swap3A_40 = vector.load %arg5[%swap3A, %swap3A_38, %swap3A_39] : memref<32x1x640xi32, #tpu.memory_space<vmem>>, vector<32x1x640xi32>
    tpu.vector_store %arg5[%swap3A, %swap3A_38, %swap3A_39], %broadcast_in_dim3A_37 {strides = array<i32>} : memref<32x1x640xi32, #tpu.memory_space<vmem>>, vector<32x1x640xi32>,
    return
  }
  func.func @transform_0(%arg0: i32) -> (i32, i32, i32) {
    %c0_i32 = arith.constant 0 : i32
    %c0_i32_0 = arith.constant 0 : i32
    %c0_i32_1 = arith.constant 0 : i32
    return %arg0, %c0_i32, %c0_i32_0 : i32, i32, i32
  }
  func.func @transform_1(%arg0: i32) -> (i32, i32, i32) {
    %c0_i32 = arith.constant 0 : i32
    %c0_i32_0 = arith.constant 0 : i32
    %c0_i32_1 = arith.constant 0 : i32
    return %arg0, %c0_i32, %c0_i32_0 : i32, i32, i32
  }
  func.func @transform_2(%arg0: i32) -> (i32, i32, i32) {
    %c0_i32 = arith.constant 0 : i32
    %c0_i32_0 = arith.constant 0 : i32
    %c0_i32_1 = arith.constant 0 : i32
    return %arg0, %c0_i32, %c0_i32_0 : i32, i32, i32
  }
  func.func @transform_3(%arg0: i32) -> (i32, i32, i32) {
    %c0_i32 = arith.constant 0 : i32
    %c0_i32_0 = arith.constant 0 : i32
    %c0_i32_1 = arith.constant 0 : i32
    return %arg0, %c0_i32, %c0_i32_0 : i32, i32, i32
  }
  func.func @transform_4(%arg0: i32) -> (i32, i32, i32) {
    %c0_i32 = arith.constant 0 : i32
    %c0_i32_0 = arith.constant 0 : i32
    %c0_i32_1 = arith.constant 0 : i32
    return %arg0, %c0_i32, %c0_i32_0 : i32, i32, i32
  }
}

module attributes {stable_mosaic.version = 14 : i64} {
  func.func @_gather_body(%arg0: i32, %arg1: memref<1x1xf32, #tpu.memory_space<smem>>, %arg2: memref<16x1x640xf32, #tpu.memory_space<vmem>>, %arg3: memref<16x1x640xf32, #tpu.memory_space<vmem>>, %arg4: memref<16x64x1xf32, #tpu.memory_space<vmem>>, %arg5: memref<16x64x1xf32, #tpu.memory_space<vmem>>, %arg6: memref<16x1x64xi32, #tpu.memory_space<vmem>>, %arg7: memref<16x64x64xf32, #tpu.memory_space<vmem>>, %arg8: memref<16x1x64xf32, #tpu.memory_space<vmem>>) attributes {dimension_semantics = [#tpu.dimension_semantics<arbitrary>], iteration_bounds = array<i64: 2>, scalar_prefetch = 0 : i64, scratch_operands = 0 : i64, tpu.core_type = #tpu.core_type<tc>, window_params = [{transform_indices = @transform_0, window_bounds = array<i64: 1, 1>}, {transform_indices = @transform_1, window_bounds = array<i64: 16, 1, 640>}, {transform_indices = @transform_2, window_bounds = array<i64: 16, 1, 640>}, {transform_indices = @transform_3, window_bounds = array<i64: 16, 64, 1>}, {transform_indices = @transform_4, window_bounds = array<i64: 16, 64, 1>}, {transform_indices = @transform_5, window_bounds = array<i64: 16, 1, 64>}, {transform_indices = @transform_6, window_bounds = array<i64: 16, 64, 64>}, {transform_indices = @transform_7, window_bounds = array<i64: 16, 1, 64>}]} {
    %get3A = arith.constant 0 : index
    %get3A_0 = arith.constant 0 : index
    %get3A_1 = memref.load %arg1[%get3A, %get3A_0] : memref<1x1xf32, #tpu.memory_space<smem>>
    %get3A_2 = arith.constant 0 : index
    %get3A_3 = arith.constant 0 : index
    %get3A_4 = arith.constant 0 : index
    %get3A_5 = vector.load %arg4[%get3A_2, %get3A_3, %get3A_4] : memref<16x64x1xf32, #tpu.memory_space<vmem>>, vector<16x64x1xf32>
    %get3A_6 = arith.constant 0 : index
    %get3A_7 = arith.constant 0 : index
    %get3A_8 = arith.constant 0 : index
    %get3A_9 = vector.load %arg5[%get3A_6, %get3A_7, %get3A_8] : memref<16x64x1xf32, #tpu.memory_space<vmem>>, vector<16x64x1xf32>
    %get3A_10 = arith.constant 0 : index
    %get3A_11 = arith.constant 0 : index
    %get3A_12 = arith.constant 0 : index
    %get3A_13 = vector.load %arg2[%get3A_10, %get3A_11, %get3A_12] : memref<16x1x640xf32, #tpu.memory_space<vmem>>, vector<16x1x640xf32>
    %get3A_14 = arith.constant 0 : index
    %get3A_15 = arith.constant 0 : index
    %get3A_16 = arith.constant 0 : index
    %get3A_17 = vector.load %arg3[%get3A_14, %get3A_15, %get3A_16] : memref<16x1x640xf32, #tpu.memory_space<vmem>>, vector<16x1x640xf32>
    %sub3A = vector.broadcast %get3A_5 : vector<16x64x1xf32> to vector<16x64x640xf32>
    %sub3A_18 = vector.broadcast %get3A_13 : vector<16x1x640xf32> to vector<16x64x640xf32>
    %sub3A_19 = arith.subf %sub3A, %sub3A_18 : vector<16x64x640xf32>
    %abs3A = math.absf %sub3A_19 : vector<16x64x640xf32>
    %sub3A_20 = vector.broadcast %get3A_9 : vector<16x64x1xf32> to vector<16x64x640xf32>
    %sub3A_21 = vector.broadcast %get3A_17 : vector<16x1x640xf32> to vector<16x64x640xf32>
    %sub3A_22 = arith.subf %sub3A_20, %sub3A_21 : vector<16x64x640xf32>
    %abs3A_23 = math.absf %sub3A_22 : vector<16x64x640xf32>
    %sub3A_24 = arith.constant 1.000000e+02 : f32
    %sub3A_25 = vector.broadcast %sub3A_24 : f32 to vector<16x64x640xf32>
    %sub3A_26 = arith.subf %sub3A_25, %abs3A : vector<16x64x640xf32>
    %min3A = arith.minimumf %abs3A, %sub3A_26 : vector<16x64x640xf32>
    %sub3A_27 = arith.constant 1.000000e+02 : f32
    %sub3A_28 = vector.broadcast %sub3A_27 : f32 to vector<16x64x640xf32>
    %sub3A_29 = arith.subf %sub3A_28, %abs3A_23 : vector<16x64x640xf32>
    %min3A_30 = arith.minimumf %abs3A_23, %sub3A_29 : vector<16x64x640xf32>
    %mul3A = arith.mulf %min3A, %min3A : vector<16x64x640xf32>
    %mul3A_31 = arith.mulf %min3A_30, %min3A_30 : vector<16x64x640xf32>
    %add3A = arith.addf %mul3A, %mul3A_31 : vector<16x64x640xf32>
    %add3A_32 = arith.constant 1.000000e+00 : f32
    %add3A_33 = vector.broadcast %add3A_32 : f32 to vector<16x64x640xf32>
    %add3A_34 = arith.addf %add3A, %add3A_33 : vector<16x64x640xf32>
    %get3A_35 = arith.constant 0 : index
    %get3A_36 = arith.constant 0 : index
    %get3A_37 = arith.constant 0 : index
    %get3A_38 = vector.load %arg6[%get3A_35, %get3A_36, %get3A_37] : memref<16x1x64xi32, #tpu.memory_space<vmem>>, vector<16x1x64xi32>
    %iota3A = tpu.iota {dimensions = array<i32: 1>} : vector<16x640x64xi32>
    %eq3A = vector.broadcast %get3A_38 : vector<16x1x64xi32> to vector<16x640x64xi32>
    %eq3A_39 = arith.cmpi eq, %iota3A, %eq3A : vector<16x640x64xi32>
    %jit3A = arith.constant 1.000000e+00 : f32
    %jit3A_40 = arith.constant 0.000000e+00 : f32
    %broadcast_in_dim3A = vector.broadcast %jit3A : f32 to vector<16x640x64xf32>
    %broadcast_in_dim3A_41 = vector.broadcast %jit3A_40 : f32 to vector<16x640x64xf32>
    %select_n3A = arith.select %eq3A_39, %broadcast_in_dim3A, %broadcast_in_dim3A_41 : vector<16x640x64xi1>, vector<16x640x64xf32>
    %dot_general3A = arith.constant dense<0.000000e+00> : vector<16x64x64xf32>
    %dot_general3A_42 = tpu.matmul %add3A_34, %select_n3A, %dot_general3A {dimension_numbers = #tpu.dot_dimension_numbers<[2], [1], [1], [2], [0, 0, 0, 1, 1, 2], [0], [0]>, precision = #tpu.contract_precision<fp32>, transpose_lhs_hint = false} : vector<16x64x640xf32>, vector<16x640x64xf32>, vector<16x64x64xf32> -> vector<16x64x64xf32>
    %log3A = math.log %dot_general3A_42 : vector<16x64x64xf32>
    %mul3A_43 = arith.constant -1.900000e+00 : f32
    %mul3A_44 = vector.broadcast %mul3A_43 : f32 to vector<16x64x64xf32>
    %mul3A_45 = arith.mulf %mul3A_44, %log3A : vector<16x64x64xf32>
    %add3A_46 = arith.constant -10.5918913 : f32
    %add3A_47 = vector.broadcast %add3A_46 : f32 to vector<16x64x64xf32>
    %add3A_48 = arith.addf %add3A_47, %mul3A_45 : vector<16x64x64xf32>
    %exp3A = math.exp %add3A_48 : vector<16x64x64xf32>
    %iota3A_49 = tpu.iota {dimensions = array<i32: 1>} : vector<16x64x64xi32>
    %iota3A_50 = tpu.iota {dimensions = array<i32: 2>} : vector<16x64x64xi32>
    %eq3A_51 = arith.cmpi eq, %iota3A_49, %iota3A_50 : vector<16x64x64xi32>
    %jit3A_52 = arith.constant 0.000000e+00 : f32
    %broadcast_in_dim3A_53 = vector.broadcast %jit3A_52 : f32 to vector<16x64x64xf32>
    %select_n3A_54 = arith.select %eq3A_51, %dot_general3A_42, %broadcast_in_dim3A_53 : vector<16x64x64xi1>, vector<16x64x64xf32>
    %reduce_sum3A = arith.constant dense<0.000000e+00> : vector<16x64xf32>
    %reduce_sum3A_55 = vector.multi_reduction <add>, %select_n3A_54, %reduce_sum3A [1] : vector<16x64x64xf32> to vector<16x64xf32>
    %broadcast_in_dim3A_56 = vector.shape_cast %reduce_sum3A_55 : vector<16x64xf32> to vector<16x1x64xf32>
    %swap3A = arith.constant 0 : index
    %swap3A_57 = arith.constant 0 : index
    %swap3A_58 = arith.constant 0 : index
    %swap3A_59 = vector.load %arg7[%swap3A, %swap3A_57, %swap3A_58] : memref<16x64x64xf32, #tpu.memory_space<vmem>>, vector<16x64x64xf32>
    tpu.vector_store %arg7[%swap3A, %swap3A_57, %swap3A_58], %exp3A {strides = array<i32>} : memref<16x64x64xf32, #tpu.memory_space<vmem>>, vector<16x64x64xf32>,
    %neg3A = arith.constant 0.000000e+00 : f32
    %neg3A_60 = arith.subf %neg3A, %get3A_1 : f32
    %log3A_61 = math.log %broadcast_in_dim3A_56 : vector<16x1x64xf32>
    %mul3A_62 = arith.constant -1.900000e+00 : f32
    %mul3A_63 = vector.broadcast %mul3A_62 : f32 to vector<16x1x64xf32>
    %mul3A_64 = arith.mulf %mul3A_63, %log3A_61 : vector<16x1x64xf32>
    %add3A_65 = arith.constant -10.5918913 : f32
    %add3A_66 = vector.broadcast %add3A_65 : f32 to vector<16x1x64xf32>
    %add3A_67 = arith.addf %add3A_66, %mul3A_64 : vector<16x1x64xf32>
    %mul3A_68 = vector.broadcast %neg3A_60 : f32 to vector<16x1x64xf32>
    %mul3A_69 = arith.mulf %mul3A_68, %add3A_67 : vector<16x1x64xf32>
    %exp3A_70 = math.exp %mul3A_69 : vector<16x1x64xf32>
    %swap3A_71 = arith.constant 0 : index
    %swap3A_72 = arith.constant 0 : index
    %swap3A_73 = arith.constant 0 : index
    %swap3A_74 = vector.load %arg8[%swap3A_71, %swap3A_72, %swap3A_73] : memref<16x1x64xf32, #tpu.memory_space<vmem>>, vector<16x1x64xf32>
    tpu.vector_store %arg8[%swap3A_71, %swap3A_72, %swap3A_73], %exp3A_70 {strides = array<i32>} : memref<16x1x64xf32, #tpu.memory_space<vmem>>, vector<16x1x64xf32>,
    return
  }
  func.func @transform_0(%arg0: i32) -> (i32, i32) {
    %c0_i32 = arith.constant 0 : i32
    %c0_i32_0 = arith.constant 0 : i32
    %c0_i32_1 = arith.constant 0 : i32
    return %c0_i32, %c0_i32_0 : i32, i32
  }
  func.func @transform_1(%arg0: i32) -> (i32, i32, i32) {
    %c0_i32 = arith.constant 0 : i32
    %c0_i32_0 = arith.constant 0 : i32
    %c0_i32_1 = arith.constant 0 : i32
    return %arg0, %c0_i32, %c0_i32_0 : i32, i32, i32
  }
  func.func @transform_2(%arg0: i32) -> (i32, i32, i32) {
    %c0_i32 = arith.constant 0 : i32
    %c0_i32_0 = arith.constant 0 : i32
    %c0_i32_1 = arith.constant 0 : i32
    return %arg0, %c0_i32, %c0_i32_0 : i32, i32, i32
  }
  func.func @transform_3(%arg0: i32) -> (i32, i32, i32) {
    %c0_i32 = arith.constant 0 : i32
    %c0_i32_0 = arith.constant 0 : i32
    %c0_i32_1 = arith.constant 0 : i32
    return %arg0, %c0_i32, %c0_i32_0 : i32, i32, i32
  }
  func.func @transform_4(%arg0: i32) -> (i32, i32, i32) {
    %c0_i32 = arith.constant 0 : i32
    %c0_i32_0 = arith.constant 0 : i32
    %c0_i32_1 = arith.constant 0 : i32
    return %arg0, %c0_i32, %c0_i32_0 : i32, i32, i32
  }
  func.func @transform_5(%arg0: i32) -> (i32, i32, i32) {
    %c0_i32 = arith.constant 0 : i32
    %c0_i32_0 = arith.constant 0 : i32
    %c0_i32_1 = arith.constant 0 : i32
    return %arg0, %c0_i32, %c0_i32_0 : i32, i32, i32
  }
  func.func @transform_6(%arg0: i32) -> (i32, i32, i32) {
    %c0_i32 = arith.constant 0 : i32
    %c0_i32_0 = arith.constant 0 : i32
    %c0_i32_1 = arith.constant 0 : i32
    return %arg0, %c0_i32, %c0_i32_0 : i32, i32, i32
  }
  func.func @transform_7(%arg0: i32) -> (i32, i32, i32) {
    %c0_i32 = arith.constant 0 : i32
    %c0_i32_0 = arith.constant 0 : i32
    %c0_i32_1 = arith.constant 0 : i32
    return %arg0, %c0_i32, %c0_i32_0 : i32, i32, i32
  }
}

</mosaic_0001>

<sc_bundles>
// kernel: kernel.5.cloned.1.call-start
scs
__scs_entry_jumppad:
0x0: {  	(pc) =	sbr.rel $0x88, $3  }
0x1: {  	(tag) =	ssettag $0x0;
	lr =	simm.s32 $0x1  }
0x2: {  	[smem:$0x3F9D] =	sst lr;
	_ =	strace $0xD0000000  }
0x3: {  	_ = 	snop  }
0x4: {  	_ = 	snop  }
0x5: {  	_ = 	snop  }
0x6: {  	_ = 	snop  }
0x7: {  	_ = 	snop  }
__scs_overlays_trampoline_lowered:
0x8: {  	[smem:$0x3FAC] =	sst s0  }
0x9: {  	[smem:$0x3FAD] =	sst s1  }
0xa: {  	[smem:$0x3FAE] =	sst s2  }
0xb: {  	[smem:$0x3FAF] =	sst s3  }
0xc: {  	[smem:$0x3FB0] =	sst s4  }
0xd: {  	[smem:$0x3FB1] =	sst s5  }
0xe: {  	[smem:$0x3FB2] =	sst s6  }
0xf: {  	[smem:$0x3FB3] =	sst s7  }
0x10: {  	[smem:$0x3FB4] =	sst s8  }
0x11: {  	[smem:$0x3FB5] =	sst s9;
	s0 =	simm.s32 @!p0 $0x0  }
0x12: {  	s1 =	sld [smem:$0x3F9B];
	s0 =	simm.s32 @p0 $0x1  }
0x13: {  	[smem:$0x3FB6] =	sst s0;
	s0 =	simm.s32 @!p1 $0x0  }
0x14: {  	s2 =	sld [smem:$0x3F9A];
	s0 =	simm.s32 @p1 $0x1  }
0x15: {  	[smem:$0x3FB7] =	sst s0;
	s0 =	simm.s32 @!p2 $0x0  }
0x16: {  	s3 =	sld [smem:$0x3FDB];
	s0 =	simm.s32 @p2 $0x1  }
0x17: {  	s4 =	simm.s32 $0x1BF5;
	[smem:$0x3FB9] =	sst s0  }
0x18: {  	s0 =	sld [smem:$0x3F9C];
	_ =	swait.ge [sflag:s4], $0x0  }
0x19: {  	s7 =	sld [smem:$0x3F9D]  }
0x1a: {  	s8 =	sadd.s32 $0xFFFFE003, lr  }
0x1b: {  	s9 =	sadd.s32 $0xFFFFFEF7, lr;
	s5 =	simm.s32 $0xFFFFFFFF;
	p2 =	slt.u32 s8, $0xFFFFF086  }
0x1c: {  	p1 =	slt.u32 s9, $0xF7A;
	s5 =	simm.s32 @!p2 $0x0  }
0x1d: {  	s5 =	simm.s32 @p1 $0x1;
	p0 =	seq.s32 s7, s2  }
0x1e: {  	s7 =	smul.u32 @!p0 $0xF7A, s2;
	p2 =	seq.s32 @!p0 s5, $0x0  }
0x1f: {  	s9 =	smul.u32 $0xF7A, s1;
	s8 =	simm.s32 @!p0 $0x1BF5;
	p2 =	por !p2, p0  }
0x20: {  	[sflag:s8] =	ssyncset.s32 @!p0 $0xFFFFF086;
	s6 =	sadd.s32 @!p0 s3, s7;
	s7 =	simm.s32 @!p0 $0x108  }
0x21: {  	s3 =	sadd.s32 s3, s9;
	s6 =	sadd.s32 @!p0 $0x88, s6;
	s7 =	simm.s32 @p2 $0x1082  }
0x22: {  	[simem:s7], [sflag:s8] =	dma.local @!p0 [hbm:s6], $0xF7A  }
0x23: {  	s9 =	sor.u32 $0xD0000000, s2;
	s6 =	simm.s32 $0x108;
	_ =	swait.ge @!p0 [sflag:s8], $0x0  }
0x24: {  	s3 =	sadd.s32 $0x88, s3;
	s6 =	simm.s32 @!p1 $0x1082;
	[sflag:s4] =	ssyncset.s32 $0xFFFFF086  }
0x25: {  	[simem:s6], [sflag:s4] =	dma.local [hbm:s3], $0xF7A  }
0x26: {  	[smem:$0x3F9D] =	sst s1;
	(tag) =	ssettag s2;
	_ =	strace s9  }
0x27: {  	s1 =	sld [smem:$0x3FAD]  }
0x28: {  	s2 =	sld [smem:$0x3FAE]  }
0x29: {  	s4 =	sld [smem:$0x3FB0]  }
0x2a: {  	p0 =	seq.s32 s5, $0x0;
	s5 =	sld [smem:$0x3FB1]  }
0x2b: {  	s6 =	sld [smem:$0x3FB2]  }
0x2c: {  	s7 =	sld [smem:$0x3FB3]  }
0x2d: {  	s3 =	simm.s32 $0x108;
	s8 =	sld [smem:$0x3FB4]  }
0x2e: {  	s3 =	simm.s32 @!p0 $0x1082;
	s9 =	sld [smem:$0x3FB5]  }
0x2f: {  	lr =	sadd.s32 s0, s3;
	s0 =	sld [smem:$0x3FAC]  }
0x30: {  	s3 =	sld [smem:$0x3FAF]  }
0x31: {  	[smem:$0x3FB8] =	sst s10  }
0x32: {  	s10 =	sld [smem:$0x3FB6];
	_ =	sdelay $0x3  }
0x33: {  	p0 =	seq.s32 s10, $0x1;
	s10 =	sld [smem:$0x3FB8];
	_ =	sdelay $0x3  }
0x34: {  	[smem:$0x3FB8] =	sst s10  }
0x35: {  	s10 =	sld [smem:$0x3FB7];
	_ =	sdelay $0x3  }
0x36: {  	p1 =	seq.s32 s10, $0x1;
	s10 =	sld [smem:$0x3FB8];
	_ =	sdelay $0x3  }
0x37: {  	[smem:$0x3FB8] =	sst s10  }
0x38: {  	s10 =	sld [smem:$0x3FB9]  }
0x39: {  	_ = 	snop;
	(pc) =	sbr.ind lr, $3  }
0x3a: {  	_ = 	snop  }
0x3b: {  	_ = 	snop  }
0x3c: {  	p2 =	seq.s32 s10, $0x1;
	s10 =	sld [smem:$0x3FB8]  }
0x3d: {  	_ =	shalt  }
0x3e: {  	_ =	shalt  }
0x3f: {  	_ =	shalt  }
0x40: {  	_ =	shalt  }
0x41: {  	_ =	shalt  }
0x42: {  	_ =	shalt  }
0x43: {  	_ =	shalt  }
0x44: {  	_ =	shalt  }
0x45: {  	_ =	shalt  }
0x46: {  	_ =	shalt  }
0x47: {  	_ =	shalt  }
0x48: {  	_ =	shalt  }
0x49: {  	_ =	shalt  }
0x4a: {  	_ =	shalt  }
0x4b: {  	_ =	shalt  }
0x4c: {  	_ =	shalt  }
0x4d: {  	_ =	shalt  }
0x4e: {  	_ =	shalt  }
0x4f: {  	_ =	shalt  }
0x50: {  	_ =	shalt  }
0x51: {  	_ =	shalt  }
0x52: {  	_ =	shalt  }
0x53: {  	_ =	shalt  }
0x54: {  	_ =	shalt  }
0x55: {  	_ =	shalt  }
0x56: {  	_ =	shalt  }
0x57: {  	_ =	shalt  }
0x58: {  	_ =	shalt  }
0x59: {  	_ =	shalt  }
0x5a: {  	_ =	shalt  }
0x5b: {  	_ =	shalt  }
0x5c: {  	_ =	shalt  }
0x5d: {  	_ =	shalt  }
0x5e: {  	_ =	shalt  }
0x5f: {  	_ =	shalt  }
0x60: {  	_ =	shalt  }
0x61: {  	_ =	shalt  }
0x62: {  	_ =	shalt  }
0x63: {  	_ =	shalt  }
0x64: {  	_ =	shalt  }
0x65: {  	_ =	shalt  }
0x66: {  	_ =	shalt  }
0x67: {  	_ =	shalt  }
0x68: {  	_ =	shalt  }
0x69: {  	_ =	shalt  }
0x6a: {  	_ =	shalt  }
0x6b: {  	_ =	shalt  }
0x6c: {  	_ =	shalt  }
0x6d: {  	_ =	shalt  }
0x6e: {  	_ =	shalt  }
0x6f: {  	_ =	shalt  }
0x70: {  	_ =	shalt  }
0x71: {  	_ =	shalt  }
0x72: {  	_ =	shalt  }
0x73: {  	_ =	shalt  }
0x74: {  	_ =	shalt  }
0x75: {  	_ =	shalt  }
0x76: {  	_ =	shalt  }
0x77: {  	_ =	shalt  }
0x78: {  	_ =	shalt  }
0x79: {  	_ =	shalt  }
0x7a: {  	_ =	shalt  }
0x7b: {  	_ =	shalt  }
0x7c: {  	_ =	shalt  }
0x7d: {  	_ =	shalt  }
0x7e: {  	_ =	shalt  }
0x7f: {  	_ =	shalt  }
0x80: {  	_ =	shalt  }
0x81: {  	_ =	shalt  }
0x82: {  	_ =	shalt  }
0x83: {  	_ =	shalt  }
0x84: {  	_ =	shalt  }
0x85: {  	_ =	shalt  }
0x86: {  	_ =	shalt  }
0x87: {  	_ =	shalt  }
.Lfunc_end0:
.L_simem_size_0:
called_computation_lowered:
.L_overlay_start_0:
0x88: {  	s0 =	sld [smem:$0x3FD9]  }
0x89: {  	s1 =	sld [smem:$0x3FFE];
	_ =	sdelay $0x3  }
0x8a: {  	s0 =	sadd.s32 s1, s0  }
0x8b: {  	[smem:$0x3FC4] =	sst s0  }
0x8c: {  	_ = 	snop  }
0x8d: {  	s0 =	sld [smem:$0x3FD0];
	_ =	sdelay $0x2  }
0x8e: {  	s13 =	simm.s32 $0xA;
	s2 =	simm.s32 $0x10  }
0x8f: {  	[smem:s2], [sflag:s13] =	dma.local [hbm:s0], $0x1  }
0x90: {  	_ =	swait.eq [sflag:s13], $0x1  }
0x91: {  	[sflag:s13] =	ssyncset.done $0x0  }
0x92: {  	s14 =	sld [smem:$0x10];
	[sflag:s13] =	ssyncadd.s32 $0xFFFFFFFF  }
0x93: {  	s15 =	sld [smem:$0x11];
	(tm) =	ssettm $0x1  }
0x94: {  	s16 =	sld [smem:$0x3FFB];
	_ =	sdelay $0x3  }
0x95: {  	_ =	strace s16  }
0x96: {  	s2 =	sld [smem:$0x3FFC];
	_ =	sdelay $0x3  }
0x97: {  	_ =	strace s2  }
0x98: {  	s2 =	sld [smem:$0x3FFD];
	_ =	sdelay $0x3  }
0x99: {  	_ =	strace s2  }
0x9a: {  	_ =	strace $0x8FFFFFFF  }
0x9b: {  	s17 =	sld [smem:$0x3FDB];
	_ =	sdelay $0x1  }
0x9c: {  	s3 =	simm.s32 $_scs_section_size  }
0x9d: {  	s4 =	simm.s32 $_size__tile_overlayer_lowered;
	s5 =	simm.s32 $_tile_overlayer_lowered  }
0x9e: {  	s20 =	simm.s32 $0x1BFF;
	s19 =	sshll.u32 s5, $0x1;
	s2 =	sadd.s32 s3, s17  }
0x9f: {  	s6 =	simm.s32 $0x0;
	s18 =	sshll.u32 s4, $0x1;
	s4 =	sadd.s32 s19, s2  }
0xa0: {  	[timem:s6], [sflag:s20] =	dma.local [hbm:s4], s18  }
0xa1: {  	_ =	swait.ge [sflag:s20], s18  }
0xa2: {  	s3 =	ssub.s32 $0x0, s18;
	[sflag:s20] =	ssyncset.done $0x0  }
0xa3: {  	[sflag:s20] =	ssyncadd.s32 s3;
	_ =	sdelay $0x1  }
0xa4: {  	s21 =	simm.s32 $0x1B8B  }
0xa5: {  	_ =	swait.ge [sflag:s21], $0x1  }
0xa6: {  	[sflag:s21] =	ssyncset.done $0x0  }
0xa7: {  	s23 =	simm.s32 $0x1B8E;
	s22 =	sld [smem:$0x3FFE];
	[sflag:s21] =	ssyncadd.s32 $0xFFFFFFFF  }
0xa8: {  	s24 =	simm.s32 $execute0_lowered;
	[smem:$0x3FD2] =	sst s23  }
0xa9: {  	s4 =	sshll.u32 s24, $0x1;
	_ =	strace $0x80000046;
	[dreg:$0x1] =	wrdreg $0xFFFFFFFF  }
0xaa: {  	s25 =	simm.s32 $_size_execute0_lowered;
	s2 =	sadd.s32 s2, s4;
	[dreg:$0x0] =	wrdreg $0x0  }
0xab: {  	s4 =	sshll.u32 s25, $0x1;
	[dreg:$0x2] =	wrdreg s2  }
0xac: {  	[dreg:$0x3] =	wrdreg s4  }
0xad: {  	[dreg:$0x4] =	wrdreg $0xC0  }
0xae: {  	_ =	task [dreg:s6], $0x5FFFF  }
0xaf: {  	[dreg:$0x1] =	wrdreg $0xFFFFFFFF  }
0xb0: {  	[dreg:$0x0] =	wrdreg $0x60  }
0xb1: {  	[dreg:$0x2] =	wrdreg s14  }
0xb2: {  	[dreg:$0x3] =	wrdreg s15  }
0xb3: {  	[dreg:$0x4] =	wrdreg s22  }
0xb4: {  	[dreg:$0x5] =	wrdreg $0x9  }
0xb5: {  	_ =	task.clear_ibuf [dreg:s6], $0x6FFFF;
	_ =	strace $0x90000046  }
0xb6: {  	s26 =	simm.s32 $0x9;
	_ =	strace $0x80000048  }
0xb7: {  	_ =	swait.ge [sflag:s26], $0x1  }
0xb8: {  	[sflag:s26] =	ssyncadd.s32 $0xFFFFFFFF  }
0xb9: {  	_ =	strace $0x90000048  }
0xba: {  	_ =	sfence  }
0xbb: {  	s28 =	sld [smem:$0x0];
	_ =	sdelay $0x1  }
0xbc: {  	s29 =	srdreg.scid  }
0xbd: {  	s30 =	sshll.u32 s29, $0xD;
	s31 =	sshrl.u32 s29, $0x2  }
0xbe: {  	s1 =	sand.u32 $0x1, s29;
	s2 =	sand.u32 $0x4000, s30;
	s0 =	sadd.s32 s31, s28  }
0xbf: {  	s1 =	sor.u32 s2, s1;
	s0 =	sshll.u32 s0, $0x11  }
0xc0: {  	s0 =	sor.u32 s0, s1  }
0xc1: {  	s0 =	sadd.s32 $0x8F2B, s0  }
0xc2: {  	[sflag:s0] =	ssyncadd.remote.s32 $0x1  }
0xc3: {  	_ =	sfence.sel $0xFFFF  }
0xc4: {  	[dreg:$0x0] =	wrdreg $0xFFFFFFFF;
	(pc) =	sbr.abs _section_cstart, $3  }
0xc5: {  	[dreg:$0x1] =	wrdreg $0xFFFFFFFF  }
0xc6: {  	_ =	task.clear_ibuf [dreg:s6], $0x2FFFF;
	_ =	strace $0x9FFFFFFF  }
0xc7: {  	(tm) =	ssettm $0x7FFFFFFF  }
tec
execute0_lowered:
.L_overlay_start_1:
0x0: {  	(tag) =	ssettag $0x1  }
0x1: {  	s1 =	rddreg [dreg:$0x0];
	s3 =	stileid.u32  }
0x2: {  	s2 =	rddreg [dreg:$0x1];
	s4 =	sshrl.u32 s3, $0x1  }
0x3: {  	s6 =	rddreg [dreg:$0x2];
	s5 =	sshll.u32 s3, $0x9;
	s7 =	smul.u32 $0x1400, s4  }
0x4: {  	s0 =	rddreg [dreg:$0x3];
	s5 =	sand.u32 $0x200, s5  }
0x5: {  	s8 =	simm.s32 $0x0;
	s28 =	simm.s32 $0x200;
	s7 =	sor.u32 s5, s7  }
0x6: {  	s9 =	simm.s32 $0x400;
	[smem:$0x7FF] =	sst s8;
	s7 =	sshrl.u32 s7, $0x3  }
0x7: {  	s29 =	simm.s32 $0x1;
	_ =	strace $0x80000047;
	s1 =	sadd.s32 s1, s7  }
0x8: {  	[tilespmem:s8], [sflag:$0x1] =	stream.strided.gather [hbm4b:s1+s28], $0xA00, s9, s28, $0x38;
	[tilespmem:$0x2F80] =	vst v63  }
0x9: {  	_ =	swait.ge [sflag:s29], $0xA00  }
0xa: {  	[sflag:s29] =	ssyncset.done $0x0  }
0xb: {  	v0 =	vimm.s32 $0xFFFFFFFF;
	[sflag:s29] =	ssyncadd.s32 $0xFFFFF600  }
0xc: {  	[tilespmem:$0xA00] =	vst v0  }
0xd: {  	[tilespmem:$0xA10] =	vst v0  }
0xe: {  	s30 =	sand.u32 $0x70, s8;
	s31 =	sand.u32 $0xE00, s8;
	[tilespmem:$0xA20] =	vst v0  }
0xf: {  	s1 =	sor.u32 s30, s31;
	[tilespmem:$0xA30] =	vst v0  }
0x10: {  	v0 =	vld [tilespmem:s1+$0x0];
	_ =	sdelay $0x4  }
0x11: {  	v1 =	vshll.u32 v0, $0xA  }
0x12: {  	v0 =	vlaneseq.u32;
	v1 =	vadd.s32 s8, v1  }
0x13: {  	v1 =	vor.u32 v0, v1  }
0x14: {  	(xrf1) =	vsort.ascd.msk.u32 $0xffff, v1, v1;
	_ =	sdelay $0x8  }
0x15: {  	v2 =	vimm.s32 $0x87654321;
	v1 =	vimm.s32 $0xFFEDCBA9  }
0x16: {  	v2 =	vunpack.c.l.s4.s8 v2;
	v1 =	vunpack.c.l.s4.s8 v1;
	_ =	sdelay $0x1  }
0x17: {  	v2 =	vunpack.c.0.s8.s32 v2;
	v1 =	vunpack.c.0.s8.s32 v1;
	_ =	sdelay $0x1  }
0x18: {  	v1 =	vcombine.low v2, v1;
	v3, _, _ =	vpop (xrf1)  }
0x19: {  	v2 =	vshrl.u32 v3, $0xA  }
0x1a: {  	v4 =	vperm.xlane v2, v1;
	_ =	sdelay $0x1  }
0x1b: {  	vm0 =	vcmask $0x3F3C;
	vm1 =	vne.s32 v2, v4  }
0x1c: {  	vm1 =	vmor vm1, vm0;
	_ =	sdelay $0x2  }
0x1d: {  	s10 =	simm.s32 $0x40;
	s11 =	simm.s32 $0x20;
	s9 =	simm.s32 $0x10  }
0x1e: {  	s13 =	sand.u32 $0xE00, s10;
	s7 =	sadd.s32 $0x1C00, s6;
	s12 =	sand.u32 $0x70, s9  }
0x1f: {  	s1 =	sadd.s32 $0x1A00, s6;
	s6 =	sadd.s32 $0x1600, s6;
	s8 =	simm.s32 $0xA00;
	v3 =	vand.u32 $0x3FF, v3  }
.LBB2_1:
0x20: {  	p0 =	sne.s32 s11, $0x270;
	s12 =	sor.u32 s12, s13;
	[tilespmem:v2+s8+$0x0] =	vst.idx.msk vm1, v3  }
0x21: {  	v2 =	vld [tilespmem:s12+$0x0];
	_ =	sdelay $0x4  }
0x22: {  	v2 =	vshll.u32 v2, $0xA  }
0x23: {  	v2 =	vadd.s32 s9, v2;
	s9 =	smov.u32 s11  }
0x24: {  	v2 =	vor.u32 v0, v2  }
0x25: {  	(xrf1) =	vsort.ascd.msk.u32 $0xffff, v2, v2;
	_ =	sdelay $0xd  }
0x26: {  	v3, _, _ =	vpop (xrf1)  }
0x27: {  	v2 =	vshrl.u32 v3, $0xA  }
0x28: {  	v4 =	vperm.xlane v2, v1;
	_ =	sdelay $0x1  }
0x29: {  	vm1 =	vne.s32 v2, v4  }
0x2a: {  	vm1 =	vmor vm1, vm0  }
.Ltmp0:
0x2b: {  	(pc) =	sbr.rel @p0 .LBB2_1-.Ltmp0, $3  }
0x2c: {  	_ =	sdelay $0x1  }
0x2d: {  	s10 =	sadd.s32 $0x40, s10  }
0x2e: {  	s13 =	sand.u32 $0xE00, s10;
	s11 =	sadd.s32 $0x10, s11;
	s12 =	sand.u32 $0x70, s9;
	v3 =	vand.u32 $0x3FF, v3  }
0x2f: {  	_ =	sdelay $0x4  }
0x30: {  	s10 =	sor.u32 s12, s13;
	[tilespmem:v2+s8+$0x0] =	vst.idx.msk vm1, v3  }
0x31: {  	v2 =	vld [tilespmem:s10+$0x0];
	_ =	sdelay $0x4  }
0x32: {  	v2 =	vshll.u32 v2, $0xA  }
0x33: {  	v2 =	vadd.s32 s9, v2  }
0x34: {  	v0 =	vor.u32 v0, v2  }
0x35: {  	(xrf1) =	vsort.ascd.msk.u32 $0xffff, v0, v0;
	_ =	sdelay $0xd  }
0x36: {  	v0, _, _ =	vpop (xrf1)  }
0x37: {  	v2 =	vshrl.u32 v0, $0xA  }
0x38: {  	v1 =	vperm.xlane v2, v1;
	_ =	sdelay $0x1  }
0x39: {  	vm1 =	vne.s32 v2, v1  }
0x3a: {  	vm1 =	vmor vm1, vm0;
	_ =	sdelay $0x4  }
0x3b: {  	v0 =	vand.u32 $0x3FF, v0  }
0x3c: {  	[tilespmem:v2+s8+$0x0] =	vst.idx.msk vm1, v0  }
0x3d: {  	v0 =	vld [tilespmem:$0xA00]  }
0x3e: {  	v1 =	vld [tilespmem:$0xA10];
	_ =	sdelay $0x1  }
0x3f: {  	v2 =	vld [tilespmem:$0xA20];
	_ =	sdelay $0x1  }
0x40: {  	v3 =	vld [tilespmem:$0xA30]  }
0x41: {  	vm1 =	vlt.s32 v0, v1  }
0x42: {  	v0 =	vsel vm1, v0, v1  }
0x43: {  	vm1 =	vlt.s32 v0, v2  }
0x44: {  	v0 =	vsel vm1, v0, v2  }
0x45: {  	vm1 =	vlt.s32 v0, v3  }
0x46: {  	v0 =	vsel vm1, v0, v3  }
0x47: {  	vm1 =	vlt.s32 v0, $0x500  }
0x48: {  	v0 =	vnsel vm1, $0x500, v0  }
0x49: {  	v0 =	vxor.u32 $0x80000000, v0  }
0x4a: {  	(xrf0) =	vmin.scan.msk.u32 $0xffff, v0;
	_ =	sdelay $0x5  }
0x4b: {  	v0, _, _ =	vpop (xrf0)  }
0x4c: {  	(v2sf) =	vpush v0, $0xF;
	_ =	sdelay $0xe  }
0x4d: {  	s28 =	spop (v2sf)  }
0x4e: {  	s8 =	sxor.u32 $0x80000000, s28  }
0x4f: {  	v0 =	vmov s8  }
0x50: {  	[tilespmem:$0xC00] =	vst v0;
	v0 =	vimm.s32 $0xFFFFFFFF  }
0x51: {  	[tilespmem:$0xA80] =	vst v0  }
0x52: {  	s29 =	simm.s32 $0x0;
	[tilespmem:$0xA90] =	vst v0  }
0x53: {  	s30 =	sand.u32 $0x70, s29;
	s31 =	sand.u32 $0xE00, s29;
	[tilespmem:$0xAA0] =	vst v0  }
0x54: {  	s9 =	sor.u32 s30, s31;
	[tilespmem:$0xAB0] =	vst v0  }
0x55: {  	v0 =	vld [tilespmem:s9+$0x80];
	_ =	sdelay $0x4  }
0x56: {  	v1 =	vshll.u32 v0, $0xA  }
0x57: {  	v0 =	vlaneseq.u32;
	v1 =	vadd.s32 s29, v1  }
0x58: {  	v1 =	vor.u32 v0, v1  }
0x59: {  	(xrf1) =	vsort.ascd.msk.u32 $0xffff, v1, v1;
	_ =	sdelay $0x8  }
0x5a: {  	v2 =	vimm.s32 $0x87654321;
	v1 =	vimm.s32 $0xFFEDCBA9  }
0x5b: {  	v2 =	vunpack.c.l.s4.s8 v2;
	v1 =	vunpack.c.l.s4.s8 v1;
	_ =	sdelay $0x1  }
0x5c: {  	v2 =	vunpack.c.0.s8.s32 v2;
	v1 =	vunpack.c.0.s8.s32 v1;
	_ =	sdelay $0x1  }
0x5d: {  	v1 =	vcombine.low v2, v1;
	v3, _, _ =	vpop (xrf1)  }
0x5e: {  	v2 =	vshrl.u32 v3, $0xA  }
0x5f: {  	v4 =	vperm.xlane v2, v1;
	_ =	sdelay $0x1  }
0x60: {  	vm1 =	vne.s32 v2, v4  }
0x61: {  	vm1 =	vmor vm1, vm0  }
0x62: {  	v2 =	vadd.s32 $0x80, v2;
	_ =	sdelay $0x2  }
0x63: {  	s11 =	simm.s32 $0x20;
	s10 =	simm.s32 $0x40;
	s9 =	simm.s32 $0x10  }
0x64: {  	s13 =	sand.u32 $0xE00, s10;
	s8 =	simm.s32 $0xA00;
	s12 =	sand.u32 $0x70, s9;
	v3 =	vand.u32 $0x3FF, v3  }
.LBB2_3:
0x65: {  	p0 =	sne.s32 s11, $0x270;
	s12 =	sor.u32 s12, s13;
	[tilespmem:v2+s8+$0x0] =	vst.idx.msk vm1, v3  }
0x66: {  	v2 =	vld [tilespmem:s12+$0x80];
	_ =	sdelay $0x4  }
0x67: {  	v2 =	vshll.u32 v2, $0xA  }
0x68: {  	v2 =	vadd.s32 s9, v2;
	s9 =	smov.u32 s11  }
0x69: {  	v2 =	vor.u32 v0, v2  }
0x6a: {  	(xrf1) =	vsort.ascd.msk.u32 $0xffff, v2, v2;
	_ =	sdelay $0xd  }
0x6b: {  	v3, _, _ =	vpop (xrf1)  }
0x6c: {  	v2 =	vshrl.u32 v3, $0xA  }
0x6d: {  	v4 =	vperm.xlane v2, v1;
	_ =	sdelay $0x1  }
0x6e: {  	vm1 =	vne.s32 v2, v4  }
0x6f: {  	vm1 =	vmor vm1, vm0  }
.Ltmp1:
0x70: {  	v2 =	vadd.s32 $0x80, v2;
	(pc) =	sbr.rel @p0 .LBB2_3-.Ltmp1, $3  }
0x71: {  	_ =	sdelay $0x1  }
0x72: {  	s10 =	sadd.s32 $0x40, s10  }
0x73: {  	s13 =	sand.u32 $0xE00, s10;
	s11 =	sadd.s32 $0x10, s11;
	s12 =	sand.u32 $0x70, s9;
	v3 =	vand.u32 $0x3FF, v3  }
0x74: {  	_ =	sdelay $0x4  }
0x75: {  	s10 =	sor.u32 s12, s13;
	[tilespmem:v2+s8+$0x0] =	vst.idx.msk vm1, v3  }
0x76: {  	v2 =	vld [tilespmem:s10+$0x80];
	_ =	sdelay $0x4  }
0x77: {  	v2 =	vshll.u32 v2, $0xA  }
0x78: {  	v2 =	vadd.s32 s9, v2  }
0x79: {  	v0 =	vor.u32 v0, v2  }
0x7a: {  	(xrf1) =	vsort.ascd.msk.u32 $0xffff, v0, v0;
	_ =	sdelay $0xd  }
0x7b: {  	v0, _, _ =	vpop (xrf1)  }
0x7c: {  	v2 =	vshrl.u32 v0, $0xA  }
0x7d: {  	v1 =	vperm.xlane v2, v1;
	_ =	sdelay $0x1  }
0x7e: {  	vm1 =	vne.s32 v2, v1  }
0x7f: {  	vm1 =	vmor vm1, vm0  }
0x80: {  	v1 =	vadd.s32 $0x80, v2;
	_ =	sdelay $0x3  }
0x81: {  	v0 =	vand.u32 $0x3FF, v0  }
0x82: {  	[tilespmem:v1+s8+$0x0] =	vst.idx.msk vm1, v0  }
0x83: {  	v0 =	vld [tilespmem:$0xA80]  }
0x84: {  	v1 =	vld [tilespmem:$0xA90];
	_ =	sdelay $0x1  }
0x85: {  	v2 =	vld [tilespmem:$0xAA0];
	_ =	sdelay $0x1  }
0x86: {  	v3 =	vld [tilespmem:$0xAB0]  }
0x87: {  	vm1 =	vlt.s32 v0, v1  }
0x88: {  	v0 =	vsel vm1, v0, v1  }
0x89: {  	vm1 =	vlt.s32 v0, v2  }
0x8a: {  	v0 =	vsel vm1, v0, v2  }
0x8b: {  	vm1 =	vlt.s32 v0, v3  }
0x8c: {  	v0 =	vsel vm1, v0, v3  }
0x8d: {  	vm1 =	vlt.s32 v0, $0x500  }
0x8e: {  	v0 =	vnsel vm1, $0x500, v0  }
0x8f: {  	v0 =	vxor.u32 $0x80000000, v0  }
0x90: {  	(xrf0) =	vmin.scan.msk.u32 $0xffff, v0;
	_ =	sdelay $0x5  }
0x91: {  	v0, _, _ =	vpop (xrf0)  }
0x92: {  	(v2sf) =	vpush v0, $0xF;
	_ =	sdelay $0xe  }
0x93: {  	s28 =	spop (v2sf)  }
0x94: {  	s8 =	sxor.u32 $0x80000000, s28  }
0x95: {  	v0 =	vmov s8  }
0x96: {  	[tilespmem:$0xC80] =	vst v0;
	v0 =	vimm.s32 $0xFFFFFFFF  }
0x97: {  	[tilespmem:$0xB00] =	vst v0  }
0x98: {  	s29 =	simm.s32 $0x0;
	[tilespmem:$0xB10] =	vst v0  }
0x99: {  	s30 =	sand.u32 $0x70, s29;
	s31 =	sand.u32 $0xE00, s29;
	[tilespmem:$0xB20] =	vst v0  }
0x9a: {  	s9 =	sor.u32 s30, s31;
	[tilespmem:$0xB30] =	vst v0  }
0x9b: {  	v0 =	vld [tilespmem:s9+$0x100];
	_ =	sdelay $0x4  }
0x9c: {  	v1 =	vshll.u32 v0, $0xA  }
0x9d: {  	v0 =	vlaneseq.u32;
	v1 =	vadd.s32 s29, v1  }
0x9e: {  	v1 =	vor.u32 v0, v1  }
0x9f: {  	(xrf1) =	vsort.ascd.msk.u32 $0xffff, v1, v1;
	_ =	sdelay $0x8  }
0xa0: {  	v2 =	vimm.s32 $0x87654321;
	v1 =	vimm.s32 $0xFFEDCBA9  }
0xa1: {  	v2 =	vunpack.c.l.s4.s8 v2;
	v1 =	vunpack.c.l.s4.s8 v1;
	_ =	sdelay $0x1  }
0xa2: {  	v2 =	vunpack.c.0.s8.s32 v2;
	v1 =	vunpack.c.0.s8.s32 v1;
	_ =	sdelay $0x1  }
0xa3: {  	v1 =	vcombine.low v2, v1;
	v3, _, _ =	vpop (xrf1)  }
0xa4: {  	v2 =	vshrl.u32 v3, $0xA  }
0xa5: {  	v4 =	vperm.xlane v2, v1;
	_ =	sdelay $0x1  }
0xa6: {  	vm1 =	vne.s32 v2, v4  }
0xa7: {  	vm1 =	vmor vm1, vm0  }
0xa8: {  	v2 =	vadd.s32 $0x100, v2;
	_ =	sdelay $0x2  }
0xa9: {  	s11 =	simm.s32 $0x20;
	s10 =	simm.s32 $0x40;
	s9 =	simm.s32 $0x10  }
0xaa: {  	s13 =	sand.u32 $0xE00, s10;
	s8 =	simm.s32 $0xA00;
	s12 =	sand.u32 $0x70, s9;
	v3 =	vand.u32 $0x3FF, v3  }
.LBB2_5:
0xab: {  	p0 =	sne.s32 s11, $0x270;
	s12 =	sor.u32 s12, s13;
	[tilespmem:v2+s8+$0x0] =	vst.idx.msk vm1, v3  }
0xac: {  	v2 =	vld [tilespmem:s12+$0x100];
	_ =	sdelay $0x4  }
0xad: {  	v2 =	vshll.u32 v2, $0xA  }
0xae: {  	v2 =	vadd.s32 s9, v2;
	s9 =	smov.u32 s11  }
0xaf: {  	v2 =	vor.u32 v0, v2  }
0xb0: {  	(xrf1) =	vsort.ascd.msk.u32 $0xffff, v2, v2;
	_ =	sdelay $0xd  }
0xb1: {  	v3, _, _ =	vpop (xrf1)  }
0xb2: {  	v2 =	vshrl.u32 v3, $0xA  }
0xb3: {  	v4 =	vperm.xlane v2, v1;
	_ =	sdelay $0x1  }
0xb4: {  	vm1 =	vne.s32 v2, v4  }
0xb5: {  	vm1 =	vmor vm1, vm0  }
.Ltmp2:
0xb6: {  	v2 =	vadd.s32 $0x100, v2;
	(pc) =	sbr.rel @p0 .LBB2_5-.Ltmp2, $3  }
0xb7: {  	_ =	sdelay $0x1  }
0xb8: {  	s10 =	sadd.s32 $0x40, s10  }
0xb9: {  	s13 =	sand.u32 $0xE00, s10;
	s11 =	sadd.s32 $0x10, s11;
	s12 =	sand.u32 $0x70, s9;
	v3 =	vand.u32 $0x3FF, v3  }
0xba: {  	_ =	sdelay $0x4  }
0xbb: {  	s10 =	sor.u32 s12, s13;
	[tilespmem:v2+s8+$0x0] =	vst.idx.msk vm1, v3  }
0xbc: {  	v2 =	vld [tilespmem:s10+$0x100];
	_ =	sdelay $0x4  }
0xbd: {  	v2 =	vshll.u32 v2, $0xA  }
0xbe: {  	v2 =	vadd.s32 s9, v2  }
0xbf: {  	v0 =	vor.u32 v0, v2  }
0xc0: {  	(xrf1) =	vsort.ascd.msk.u32 $0xffff, v0, v0;
	_ =	sdelay $0xd  }
0xc1: {  	v0, _, _ =	vpop (xrf1)  }
0xc2: {  	v2 =	vshrl.u32 v0, $0xA  }
0xc3: {  	v1 =	vperm.xlane v2, v1;
	_ =	sdelay $0x1  }
0xc4: {  	vm1 =	vne.s32 v2, v1  }
0xc5: {  	vm1 =	vmor vm1, vm0  }
0xc6: {  	v1 =	vadd.s32 $0x100, v2;
	_ =	sdelay $0x3  }
0xc7: {  	v0 =	vand.u32 $0x3FF, v0  }
0xc8: {  	[tilespmem:v1+s8+$0x0] =	vst.idx.msk vm1, v0  }
0xc9: {  	v0 =	vld [tilespmem:$0xB00]  }
0xca: {  	v1 =	vld [tilespmem:$0xB10];
	_ =	sdelay $0x1  }
0xcb: {  	v2 =	vld [tilespmem:$0xB20];
	_ =	sdelay $0x1  }
0xcc: {  	v3 =	vld [tilespmem:$0xB30]  }
0xcd: {  	vm1 =	vlt.s32 v0, v1  }
0xce: {  	v0 =	vsel vm1, v0, v1  }
0xcf: {  	vm1 =	vlt.s32 v0, v2  }
0xd0: {  	v0 =	vsel vm1, v0, v2  }
0xd1: {  	vm1 =	vlt.s32 v0, v3  }
0xd2: {  	v0 =	vsel vm1, v0, v3  }
0xd3: {  	vm1 =	vlt.s32 v0, $0x500  }
0xd4: {  	v0 =	vnsel vm1, $0x500, v0  }
0xd5: {  	v0 =	vxor.u32 $0x80000000, v0  }
0xd6: {  	(xrf0) =	vmin.scan.msk.u32 $0xffff, v0;
	_ =	sdelay $0x5  }
0xd7: {  	v0, _, _ =	vpop (xrf0)  }
0xd8: {  	(v2sf) =	vpush v0, $0xF;
	_ =	sdelay $0xe  }
0xd9: {  	s28 =	spop (v2sf)  }
0xda: {  	s8 =	sxor.u32 $0x80000000, s28  }
0xdb: {  	v0 =	vmov s8  }
0xdc: {  	[tilespmem:$0xD00] =	vst v0;
	v0 =	vimm.s32 $0xFFFFFFFF  }
0xdd: {  	[tilespmem:$0xB80] =	vst v0  }
0xde: {  	s29 =	simm.s32 $0x0;
	[tilespmem:$0xB90] =	vst v0  }
0xdf: {  	s30 =	sand.u32 $0x70, s29;
	s31 =	sand.u32 $0xE00, s29;
	[tilespmem:$0xBA0] =	vst v0  }
0xe0: {  	s9 =	sor.u32 s30, s31;
	[tilespmem:$0xBB0] =	vst v0  }
0xe1: {  	v0 =	vld [tilespmem:s9+$0x180];
	_ =	sdelay $0x4  }
0xe2: {  	v1 =	vshll.u32 v0, $0xA  }
0xe3: {  	v0 =	vlaneseq.u32;
	v1 =	vadd.s32 s29, v1  }
0xe4: {  	v1 =	vor.u32 v0, v1  }
0xe5: {  	(xrf1) =	vsort.ascd.msk.u32 $0xffff, v1, v1;
	_ =	sdelay $0x8  }
0xe6: {  	v2 =	vimm.s32 $0x87654321;
	v1 =	vimm.s32 $0xFFEDCBA9  }
0xe7: {  	v2 =	vunpack.c.l.s4.s8 v2;
	v1 =	vunpack.c.l.s4.s8 v1;
	_ =	sdelay $0x1  }
0xe8: {  	v2 =	vunpack.c.0.s8.s32 v2;
	v1 =	vunpack.c.0.s8.s32 v1;
	_ =	sdelay $0x1  }
0xe9: {  	v1 =	vcombine.low v2, v1;
	v3, _, _ =	vpop (xrf1)  }
0xea: {  	v2 =	vshrl.u32 v3, $0xA  }
0xeb: {  	v4 =	vperm.xlane v2, v1;
	_ =	sdelay $0x1  }
0xec: {  	vm1 =	vne.s32 v2, v4  }
0xed: {  	vm1 =	vmor vm1, vm0  }
0xee: {  	v2 =	vadd.s32 $0x180, v2;
	_ =	sdelay $0x2  }
0xef: {  	s11 =	simm.s32 $0x20;
	s10 =	simm.s32 $0x40;
	s9 =	simm.s32 $0x10  }
0xf0: {  	s13 =	sand.u32 $0xE00, s10;
	s8 =	simm.s32 $0xA00;
	s12 =	sand.u32 $0x70, s9;
	v3 =	vand.u32 $0x3FF, v3  }
.LBB2_7:
0xf1: {  	p0 =	sne.s32 s11, $0x270;
	s12 =	sor.u32 s12, s13;
	[tilespmem:v2+s8+$0x0] =	vst.idx.msk vm1, v3  }
0xf2: {  	v2 =	vld [tilespmem:s12+$0x180];
	_ =	sdelay $0x4  }
0xf3: {  	v2 =	vshll.u32 v2, $0xA  }
0xf4: {  	v2 =	vadd.s32 s9, v2;
	s9 =	smov.u32 s11  }
0xf5: {  	v2 =	vor.u32 v0, v2  }
0xf6: {  	(xrf1) =	vsort.ascd.msk.u32 $0xffff, v2, v2;
	_ =	sdelay $0xd  }
0xf7: {  	v3, _, _ =	vpop (xrf1)  }
0xf8: {  	v2 =	vshrl.u32 v3, $0xA  }
0xf9: {  	v4 =	vperm.xlane v2, v1;
	_ =	sdelay $0x1  }
0xfa: {  	vm1 =	vne.s32 v2, v4  }
0xfb: {  	vm1 =	vmor vm1, vm0  }
.Ltmp3:
0xfc: {  	v2 =	vadd.s32 $0x180, v2;
	(pc) =	sbr.rel @p0 .LBB2_7-.Ltmp3, $3  }
0xfd: {  	_ =	sdelay $0x1  }
0xfe: {  	s10 =	sadd.s32 $0x40, s10  }
0xff: {  	s13 =	sand.u32 $0xE00, s10;
	s11 =	sadd.s32 $0x10, s11;
	s12 =	sand.u32 $0x70, s9;
	v3 =	vand.u32 $0x3FF, v3  }
0x100: {  	_ =	sdelay $0x4  }
0x101: {  	s10 =	sor.u32 s12, s13;
	[tilespmem:v2+s8+$0x0] =	vst.idx.msk vm1, v3  }
0x102: {  	v2 =	vld [tilespmem:s10+$0x180];
	_ =	sdelay $0x4  }
0x103: {  	v2 =	vshll.u32 v2, $0xA  }
0x104: {  	v2 =	vadd.s32 s9, v2  }
0x105: {  	v0 =	vor.u32 v0, v2  }
0x106: {  	(xrf1) =	vsort.ascd.msk.u32 $0xffff, v0, v0;
	_ =	sdelay $0xd  }
0x107: {  	v0, _, _ =	vpop (xrf1)  }
0x108: {  	v60 =	vshrl.u32 v0, $0xA  }
0x109: {  	v1 =	vperm.xlane v60, v1;
	_ =	sdelay $0x1  }
0x10a: {  	vm14 =	vne.s32 v60, v1  }
0x10b: {  	vm0 =	vmor vm14, vm0  }
0x10c: {  	v61 =	vadd.s32 $0x180, v60;
	_ =	sdelay $0x3  }
0x10d: {  	v0 =	vand.u32 $0x3FF, v0  }
0x10e: {  	[tilespmem:v61+s8+$0x0] =	vst.idx.msk vm0, v0  }
0x10f: {  	v0 =	vld [tilespmem:$0xB80]  }
0x110: {  	v1 =	vld [tilespmem:$0xB90];
	_ =	sdelay $0x1  }
0x111: {  	v62 =	vld [tilespmem:$0xBA0];
	_ =	sdelay $0x1  }
0x112: {  	v3 =	vld [tilespmem:$0xBB0]  }
0x113: {  	vm15 =	vlt.s32 v0, v1  }
0x114: {  	v0 =	vsel vm15, v0, v1  }
0x115: {  	vm0 =	vlt.s32 v0, v62  }
0x116: {  	v0 =	vsel vm0, v0, v62  }
0x117: {  	vm0 =	vlt.s32 v0, v3  }
0x118: {  	v0 =	vsel vm0, v0, v3  }
0x119: {  	vm0 =	vlt.s32 v0, $0x500  }
0x11a: {  	v0 =	vnsel vm0, $0x500, v0  }
0x11b: {  	v0 =	vxor.u32 $0x80000000, v0  }
0x11c: {  	(xrf0) =	vmin.scan.msk.u32 $0xffff, v0;
	_ =	sdelay $0x5  }
0x11d: {  	v0, _, _ =	vpop (xrf0)  }
0x11e: {  	(v2sf) =	vpush v0, $0xF;
	_ =	sdelay $0xe  }
0x11f: {  	s4 =	sshll.u32 s4, $0xA;
	s24 =	spop (v2sf)  }
0x120: {  	s4 =	sor.u32 s5, s4;
	s25 =	sxor.u32 $0x80000000, s24  }
0x121: {  	s29 =	simm.s32 $0xA00;
	s26 =	sshrl.u32 s4, $0x3;
	v63 =	vmov s25  }
0x122: {  	s5 =	simm.s32 $0x1;
	s4 =	simm.s32 $0x0;
	s28 =	sadd.s32 s7, s26;
	[tilespmem:$0xD80] =	vst v63  }
0x123: {  	[hbm4b:s28+s4] =	stream.linear.scatter [tilespmem:s29], [sflag:$0x1], $0x200, $0x38;
	[tilespmem:$0x2F80] =	vst v63  }
0x124: {  	_ =	swait.ge [sflag:s5], $0x200  }
0x125: {  	s31 =	simm.s32 $0xC00;
	p0 =	sne.s32 s3, $0x0;
	[sflag:s5] =	ssyncset.done $0x0  }
.Ltmp4:
0x126: {  	s30 =	sadd.s32 s6, s26;
	[sflag:s5] =	ssyncadd.s32 $0xFFFFFE00;
	(pc) =	sbr.rel @!p0 .LBB2_9-.Ltmp4, $4  }
0x127: {  	[hbm4b:s30+s4] =	stream.linear.scatter [tilespmem:s31], [sflag:$0x1], $0x200, $0x38;
	[tilespmem:$0x2F80] =	vst v63  }
0x128: {  	_ =	swait.ge [sflag:s5], $0x200  }
0x129: {  	[sflag:s5] =	ssyncset.done $0x0  }
0x12a: {  	[sflag:s5] =	ssyncadd.s32 $0xFFFFFE00  }
.Ltmp5:
0x12b: {  	(pc) =	sbr.rel .LBB2_11-.Ltmp5, $2  }
0x12c: {  	_ =	sdelay $0x1  }
0x12d: {  	[bflag:$0x0] =	sbarrier.arrive $0xFFFF;
	_ =	sdelay $0x1  }
.LBB2_9:
0x12e: {  	s3 =	simm.s32 $0x2F00  }
0x12f: {  	[tilespmem:s3], [sflag:$0x1] =	stream.linear.gather [hbm4b:s2+s4], $0x80, $0x38;
	[tilespmem:$0x2F80] =	vst v63  }
0x130: {  	_ =	swait.ge [sflag:s5], $0x80  }
0x131: {  	v0 =	vlaneseq.u32;
	[sflag:s5] =	ssyncset.done $0x0  }
0x132: {  	v1 =	vmul.u32 $0x80, v0;
	[sflag:s5] =	ssyncadd.s32 $0xFFFFFF80  }
0x133: {  	s23 =	simm.s32 $0xE00;
	[bflag:$0x0] =	sbarrier.arrive $0xFFFF  }
0x134: {  	[tilespmem:s23], [sflag:$0x1] =	stream.linear.gather [hbm4b:s6+s4], $0x2000, $0x38;
	[tilespmem:$0x2F80] =	vst v63  }
0x135: {  	_ =	swait.ge [sflag:s5], $0x2000  }
0x136: {  	[sflag:s5] =	ssyncset.done $0x0  }
0x137: {  	[sflag:s5] =	ssyncadd.s32 $0xFFFFE000  }
0x138: {  	v2 =	vld.idx.msk [tilespmem:v1+s23+$0x0], $0xffff;
	_ =	sdelay $0x3  }
0x139: {  	v3 =	vor.u32 $0x800, v1  }
0x13a: {  	v4 =	vimm.s32 $0x0;
	vm0 =	vgt.s32 v2, $0xFFFFFFFF  }
0x13b: {  	v5 =	vsel vm0, $0x1, v4  }
0x13c: {  	(xrf0) =	vadd.scan.msk.s32 $0xffff, v5;
	_ =	sdelay $0x1  }
0x13d: {  	v3 =	vld.idx.msk [tilespmem:v3+s23+$0x0], $0xffff;
	_ =	sdelay $0x3  }
0x13e: {  	v6 =	vor.u32 $0x1000, v1;
	v5, _, _ =	vpop (xrf0)  }
0x13f: {  	vm1 =	vgt.s32 v3, $0xFFFFFFFF;
	v7 =	vxor.u32 $0x80000000, v5  }
0x140: {  	v45 =	vsel vm1, $0x1, v4;
	(xrf0) =	vmax.scan.msk.u32 $0xffff, v7  }
0x141: {  	(xrf0) =	vadd.scan.msk.s32 $0xffff, v45;
	_ =	sdelay $0x1  }
0x142: {  	v6 =	vld.idx.msk [tilespmem:v6+s23+$0x0], $0xffff;
	_ =	sdelay $0x2  }
0x143: {  	v46, _, _ =	vpop (xrf0)  }
0x144: {  	v1 =	vor.u32 $0x1800, v1;
	v8, _, _ =	vpop (xrf0)  }
0x145: {  	vm2 =	vgt.s32 v6, $0xFFFFFFFF;
	v9 =	vxor.u32 $0x80000000, v8  }
0x146: {  	v47 =	vsel vm2, $0x1, v4;
	(xrf0) =	vmax.scan.msk.u32 $0xffff, v9  }
0x147: {  	(xrf0) =	vadd.scan.msk.s32 $0xffff, v47;
	_ =	sdelay $0x1  }
0x148: {  	v1 =	vld.idx.msk [tilespmem:v1+s23+$0x0], $0xffff;
	_ =	sdelay $0x2  }
0x149: {  	v48, _, _ =	vpop (xrf0)  }
0x14a: {  	v10, _, _ =	vpop (xrf0)  }
0x14b: {  	vm3 =	vgt.s32 v1, $0xFFFFFFFF;
	v11 =	vxor.u32 $0x80000000, v10  }
0x14c: {  	v49 =	vsel vm3, $0x1, v4;
	(xrf0) =	vmax.scan.msk.u32 $0xffff, v11  }
0x14d: {  	(xrf0) =	vadd.scan.msk.s32 $0xffff, v49;
	_ =	sdelay $0x4  }
0x14e: {  	v50, _, _ =	vpop (xrf0)  }
0x14f: {  	v12, _, _ =	vpop (xrf0)  }
0x150: {  	v13 =	vxor.u32 $0x80000000, v12  }
0x151: {  	(xrf0) =	vmax.scan.msk.u32 $0xffff, v13;
	_ =	sdelay $0x1  }
0x152: {  	(v2sf) =	vpush v46, $0xF  }
0x153: {  	(v2sf) =	vpush v48, $0xF;
	_ =	sdelay $0x1  }
0x154: {  	(v2sf) =	vpush v50, $0xF  }
0x155: {  	v51, _, _ =	vpop (xrf0)  }
0x156: {  	(v2sf) =	vpush v51, $0xF;
	_ =	sdelay $0x8  }
0x157: {  	vm4 =	vle.s32 v2, $0xFFFFFFFF  }
0x158: {  	vm5 =	vle.s32 v3, $0xFFFFFFFF;
	v2 =	vsel vm4, $0x1, v4;
	s24 =	spop (v2sf)  }
0x159: {  	vm14 =	vle.s32 v6, $0xFFFFFFFF;
	v52 =	vsel vm5, $0x1, v4;
	(xrf0) =	vadd.scan.msk.s32 $0xffff, v2;
	s25 =	spop (v2sf)  }
0x15a: {  	v53 =	vsel vm14, $0x1, v4;
	vm15 =	vle.s32 v1, $0xFFFFFFFF;
	s2 =	sxor.u32 $0x80000000, s24;
	(xrf0) =	vadd.scan.msk.s32 $0xffff, v52;
	s3 =	sxor.u32 $0x80000000, s25  }
0x15b: {  	v54 =	vsel vm15, $0x1, v4;
	(xrf0) =	vadd.scan.msk.s32 $0xffff, v53;
	s7 =	sadd.s32 s2, s3;
	s26 =	spop (v2sf)  }
0x15c: {  	(xrf0) =	vadd.scan.msk.s32 $0xffff, v54;
	s6 =	sadd.s32 s26, s7  }
0x15d: {  	s6 =	sadd.s32 $0x80000000, s6;
	s8 =	spop (v2sf)  }
0x15e: {  	s10 =	ssub.s32 $0x10, s2;
	s9 =	sadd.s32 s8, s6  }
0x15f: {  	s3 =	ssub.s32 s10, s3;
	v55, _, _ =	vpop (xrf0);
	s9 =	sadd.s32 $0x80000000, s9  }
0x160: {  	v56 =	vadd.s32 s2, v8;
	v58 =	vadd.s32 s7, v10;
	v2, _, _ =	vpop (xrf0);
	v1 =	vadd.s32 s9, v55;
	s11 =	sadd.s32 s10, s9;
	s28 =	sadd.s32 s9, s3  }
0x161: {  	v57, _, _ =	vpop (xrf0);
	v60 =	vadd.s32 s6, v12;
	v1 =	vsel vm0, v5, v1;
	v2 =	vadd.s32 s11, v2;
	s2 =	sadd.s32 $0x10, s28  }
0x162: {  	v59, _, _ =	vpop (xrf0);
	s29 =	sadd.s32 $0x80000030, s8;
	v1 =	vadd.s32 $0xFFFFFFFF, v1;
	v2 =	vsel vm1, v56, v2;
	v4 =	vadd.s32 s2, v57  }
0x163: {  	v5 =	vadd.s32 s29, v59;
	v2 =	vadd.s32 $0xFFFFFFFF, v2;
	v3 =	vsel vm2, v58, v4  }
0x164: {  	v4 =	vsel vm3, v60, v5;
	v3 =	vadd.s32 $0xFFFFFFFF, v3  }
0x165: {  	v4 =	vadd.s32 $0xFFFFFFFF, v4  }
0x166: {  	s30 =	simm.s32 $0x2E00  }
0x167: {  	v61 =	vor.u32 $0x10, v0;
	[tilespmem:v1+s30+$0x0] =	vst.idx.msk $0xffff, v0  }
0x168: {  	v62 =	vor.u32 $0x20, v0;
	[tilespmem:v2+s30+$0x0] =	vst.idx.msk $0xffff, v61  }
0x169: {  	v0 =	vor.u32 $0x30, v0;
	[tilespmem:v3+s30+$0x0] =	vst.idx.msk $0xffff, v62  }
0x16a: {  	[tilespmem:v4+s30+$0x0] =	vst.idx.msk $0xffff, v0  }
0x16b: {  	v0 =	vld [tilespmem:$0x2E00]  }
0x16c: {  	v1 =	vld [tilespmem:$0x2F00]  }
0x16d: {  	v2 =	vld [tilespmem:$0x2E10]  }
0x16e: {  	v3 =	vld [tilespmem:$0x2F00];
	_ =	sdelay $0x3  }
0x16f: {  	v0 =	vadd.s32 v0, v1  }
0x170: {  	v63 =	vadd.s32 v2, v3;
	[tilespmem:$0x2E80] =	vst v0  }
0x171: {  	s31 =	simm.s32 $0x2E80;
	[tilespmem:$0x2E90] =	vst v63  }
0x172: {  	[hbm4b:s1+s4] =	stream.linear.scatter [tilespmem:s31], [sflag:$0x1], $0x80, $0x38;
	[tilespmem:$0x2F80] =	vst v63  }
0x173: {  	_ =	swait.ge [sflag:s5], $0x80  }
0x174: {  	[sflag:s5] =	ssyncset.done $0x0  }
0x175: {  	[sflag:s5] =	ssyncadd.s32 $0xFFFFFF80  }
.LBB2_11:
0x176: {  	_ =	sfence.sel $0x180000  }
0x177: {  	[bflag:$0x0] =	sbarrier.arrive $0xFFFF  }
0x178: {  	_ =	strace $0x90000047  }
0x179: {  	s0 =	sadd.s32 @!p0 $0x100000, s0;
	[bflag:$0x2] =	sbarrier.arrive $0xFFFF  }
0x17a: {  	[sflag:s0] =	ssyncadd.tile.s32 @!p0 $0x1;
	_ =	shalt  }
.Lfunc_end2:
_tile_overlayer_lowered:
.L_overlay_start_2:
0x17b: {  	(tag) =	ssettag $0x2  }
0x17c: {  	s0 =	rddreg [dreg:$0x0];
	s2 =	stileid.u32  }
0x17d: {  	s1 =	rddreg [dreg:$0x1];
	p0 =	sne.s32 s2, $0x0  }
0x17e: {  	s3 =	rddreg [dreg:$0x2];
	[bflag:$0x3] =	sbarrier.arrive $0xFFFF;
	s2 =	simm.s32 @!p0 $0x1C01  }
0x17f: {  	[timem:s3], [sflag:s2] =	dma.local @!p0 [hbm:s0], s1  }
0x180: {  	s0 =	simm.s32 @!p0 $0x1  }
0x181: {  	_ =	swait.ge @!p0 [sflag:s0], s1  }
0x182: {  	s1 =	ssub.s32 @!p0 $0x0, s1;
	[sflag:s0] =	ssyncset.done @!p0 $0x0  }
0x183: {  	[sflag:s0] =	ssyncadd.s32 @!p0 s1  }
0x184: {  	[bflag:$0x3] =	sbarrier.arrive $0xFFFF  }
0x185: {  	_ =	shalt  }

</sc_bundles>
